<compile_context>
chip_gen: v7x
topology: tpu7x:2x2x1
jax: 0.10.2.dev20260603
libtpu: 0.0.44.dev20260713+nightly
codegen_flags: <defaults>
</compile_context>

<pallas_src>
import jax
import jax.numpy as jnp
from jax import lax
from jax.experimental import pallas as pl
from jax.experimental.pallas import tpu as pltpu
from jax.experimental.pallas import tpu_sc as plsc

N = 10000
D = 128
DH = D // 2
E = 320000
NC = 2
NS = 16
B = 128
NBT = E // B
BPT = NBT // NS
XTRA = NBT - BPT * NS
MAXB = BPT + 1
NPAD = 10240
RPT = NPAD // NS
RB = 1024
NB = 4

_UNTILED = pltpu.CompilerParams(use_tc_tiling_on_sc=False)


def _tile_range(sid):
    start = BPT * sid + jnp.minimum(sid, XTRA)
    nb = BPT + (sid < XTRA).astype(jnp.int32)
    return start, nb


def _deg_body(ei_hbm, d0_hbm, d1_hbm, col_v, ones_v, zero_v, deg_sh, h0, h1):
    cid = lax.axis_index("c")
    sid = lax.axis_index("s")
    start, nb = _tile_range(sid)
    def zb(i, c):
        zero_v[pl.ds(i * 16, 16)] = jnp.zeros((16,), jnp.float32)
        return c
    lax.fori_loop(0, RPT // 16, zb, 0)
    pltpu.sync_copy(zero_v, deg_sh.at[pl.ds(sid * RPT, RPT)])
    def ob(i, c):
        ones_v[pl.ds(i * 16, 16)] = jnp.ones((16,), jnp.float32)
        return c
    lax.fori_loop(0, B // 16, ob, 0)
    plsc.subcore_barrier()
    @pl.when(sid < XTRA)
    def _():
        pltpu.sync_copy(ei_hbm.at[pl.ds(start, MAXB), pl.ds(1, 1)], col_v)
    @pl.when(sid >= XTRA)
    def _():
        pltpu.sync_copy(ei_hbm.at[pl.ds(start, BPT), pl.ds(1, 1)],
                        col_v.at[pl.ds(0, BPT)])
    half = (nb + 1) // 2
    j0 = cid * half
    cnt = jnp.where(cid == 0, half, nb - half)
    hsem = (h0, h1)
    def _wait_one(u):
        pltpu.make_async_copy(ones_v, deg_sh.at[col_v.at[0, 0]],
                              hsem[u]).wait()
    def douter(t, c):
        for u in range(2):
            k = t * 2 + u
            @pl.when(k >= 2)
            def _():
                _wait_one(u)
            pltpu.async_copy(ones_v, deg_sh.at[col_v.at[j0 + k, 0]],
                             hsem[u], add=True)
        return c
    lax.fori_loop(0, cnt // 2, douter, 0)
    _wait_one(0)
    _wait_one(1)
    @pl.when(cnt % 2 == 1)
    def _():
        pltpu.sync_copy(ones_v,
                        deg_sh.at[col_v.at[j0 + (cnt // 2) * 2, 0]], add=True)
    plsc.subcore_barrier()
    my_rows = deg_sh.at[pl.ds(sid * RPT, RPT)]
    @pl.when(cid == 0)
    def _():
        pltpu.sync_copy(my_rows, d0_hbm.at[pl.ds(sid * RPT, RPT)])
    @pl.when(cid == 1)
    def _():
        pltpu.sync_copy(my_rows, d1_hbm.at[pl.ds(sid * RPT, RPT)])


_deg_call = pl.kernel(
    _deg_body,
    out_type=(jax.ShapeDtypeStruct((NPAD,), jnp.float32),
              jax.ShapeDtypeStruct((NPAD,), jnp.float32)),
    mesh=plsc.VectorSubcoreMesh(core_axis_name="c", subcore_axis_name="s",
                                num_cores=NC, num_subcores=NS),
    scratch_types=[
        pltpu.VMEM((MAXB, 1, B), jnp.int32),
        pltpu.VMEM((B,), jnp.float32),
        pltpu.VMEM((RPT,), jnp.float32),
        pltpu.VMEM_SHARED((NPAD,), jnp.float32),
        pltpu.SemaphoreType.DMA,
        pltpu.SemaphoreType.DMA,
    ],
    compiler_params=_UNTILED,
)


def _gs_body(y_hbm, ei_hbm, s_hbm,
             row_v, col_v, b0, b1, b2, b3, s_sh,
             g0, g1, g2, g3):
    cid = lax.axis_index("c")
    sid = lax.axis_index("s")
    bufs = (b0, b1, b2, b3)
    gsem = (g0, g1, g2, g3)
    start, nb = _tile_range(sid)
    def fz(i, c):
        for k in range(DH // 16):
            b0[i, pl.ds(k * 16, 16)] = jnp.zeros((16,), jnp.float32)
        return c
    lax.fori_loop(0, B, fz, 0)
    def zb(t, c):
        pltpu.sync_copy(b0, s_sh.at[pl.ds(sid * RPT + t * B, B)])
        return c
    lax.fori_loop(0, RPT // B, zb, 0)
    plsc.subcore_barrier()
    @pl.when(sid < XTRA)
    def _():
        pltpu.sync_copy(ei_hbm.at[pl.ds(start, MAXB), pl.ds(0, 1)], row_v)
        pltpu.sync_copy(ei_hbm.at[pl.ds(start, MAXB), pl.ds(1, 1)], col_v)
    @pl.when(sid >= XTRA)
    def _():
        pltpu.sync_copy(ei_hbm.at[pl.ds(start, BPT), pl.ds(0, 1)],
                        row_v.at[pl.ds(0, BPT)])
        pltpu.sync_copy(ei_hbm.at[pl.ds(start, BPT), pl.ds(1, 1)],
                        col_v.at[pl.ds(0, BPT)])
    cvec = jnp.full((16,), 0, jnp.int32) + cid
    def rm(j, c):
        for k in range(B // 16):
            v = row_v[j, 0, pl.ds(k * 16, 16)]
            row_v[j, 0, pl.ds(k * 16, 16)] = v + v + cvec
        return c
    lax.fori_loop(0, nb, rm, 0)

    for u in range(NB):
        pltpu.async_copy(y_hbm.at[row_v.at[u, 0]], bufs[u], gsem[u])
    def outer(t, c):
        for u in range(NB):
            j = t * NB + u
            pltpu.make_async_copy(y_hbm.at[row_v.at[j, 0]], bufs[u],
                                  gsem[u]).wait()
            pltpu.sync_copy(bufs[u], s_sh.at[col_v.at[j, 0]], add=True)
            @pl.when(j + NB < nb)
            def _():
                pltpu.async_copy(y_hbm.at[row_v.at[j + NB, 0]], bufs[u],
                                 gsem[u])
        return c
    lax.fori_loop(0, BPT // NB, outer, 0)
    @pl.when(sid < XTRA)
    def _():
        pltpu.make_async_copy(y_hbm.at[row_v.at[BPT, 0]], bufs[0],
                              gsem[0]).wait()
        pltpu.sync_copy(bufs[0], s_sh.at[col_v.at[BPT, 0]], add=True)
    plsc.subcore_barrier()
    pltpu.sync_copy(s_sh.at[pl.ds(sid * RPT, RPT)],
                    s_hbm.at[pl.ds(sid * RPT, RPT), pl.ds(cid * DH, DH)])


_gs_call = pl.kernel(
    _gs_body,
    out_type=jax.ShapeDtypeStruct((NPAD, D), jnp.float32),
    mesh=plsc.VectorSubcoreMesh(core_axis_name="c", subcore_axis_name="s",
                                num_cores=NC, num_subcores=NS),
    scratch_types=(
        [pltpu.VMEM((MAXB, 1, B), jnp.int32)] * 2
        + [pltpu.VMEM((B, DH), jnp.float32)] * NB
        + [pltpu.VMEM_SHARED((NPAD, DH), jnp.float32)]
        + [pltpu.SemaphoreType.DMA] * NB
    ),
    compiler_params=_UNTILED,
)


def _sigmoid(x):
    return 1.0 / (1.0 + jnp.exp(-x))


def _dis_col(dd_ref):
    dis = lax.rsqrt(dd_ref[...] + 1.0)
    return jnp.transpose(dis.reshape(1, RB))


def _y_body(x_ref, w_ref, wihT_ref, bi_ref, bh_ref, dd_ref, y_ref, wev_ref):
    @pl.when(pl.program_id(0) == 0)
    def _():
        g = jnp.dot(w_ref[...], wihT_ref[...],
                    preferred_element_type=jnp.float32)
        g = g + bi_ref[...] + bh_ref[...]
        i = g[:, :D]
        gg = g[:, 2 * D:3 * D]
        o = g[:, 3 * D:]
        c = _sigmoid(i) * jnp.tanh(gg)
        wev_ref[...] = _sigmoid(o) * jnp.tanh(c)
    y_ref[...] = jnp.dot(x_ref[...], wev_ref[...],
                         preferred_element_type=jnp.float32) * _dis_col(dd_ref)


def _y_call(X, W, W_ihT, bi, bh, dd):
    return pl.pallas_call(
        _y_body,
        grid=((N + RB - 1) // RB,),
        in_specs=[
            pl.BlockSpec((RB, D), lambda i: (i, 0)),
            pl.BlockSpec((D, D), lambda i: (0, 0)),
            pl.BlockSpec((D, 4 * D), lambda i: (0, 0)),
            pl.BlockSpec((1, 4 * D), lambda i: (0, 0)),
            pl.BlockSpec((1, 4 * D), lambda i: (0, 0)),
            pl.BlockSpec((RB,), lambda i: (i,)),
        ],
        out_specs=pl.BlockSpec((RB, D), lambda i: (i, 0)),
        out_shape=jax.ShapeDtypeStruct((N, D), jnp.float32),
        scratch_shapes=[pltpu.VMEM((D, D), jnp.float32)],
    )(X, W, W_ihT, bi, bh, dd)


def _out_body(s_ref, y_ref, dd_ref, o_ref):
    o_ref[...] = (s_ref[...] + y_ref[...]) * _dis_col(dd_ref)


def _out_call(s, y, dd):
    return pl.pallas_call(
        _out_body,
        grid=((N + RB - 1) // RB,),
        in_specs=[
            pl.BlockSpec((RB, D), lambda i: (i, 0)),
            pl.BlockSpec((RB, D), lambda i: (i, 0)),
            pl.BlockSpec((RB,), lambda i: (i,)),
        ],
        out_specs=pl.BlockSpec((RB, D), lambda i: (i, 0)),
        out_shape=jax.ShapeDtypeStruct((N, D), jnp.float32),
    )(s, y, dd)


def kernel(X, edge_index, W, W_ih, W_hh, b_ih, b_hh):
    ei3 = edge_index.reshape(2, NBT, B).transpose(1, 0, 2)

    d0, d1 = _deg_call(ei3)
    dd = d0 + d1
    Y = _y_call(X, W, W_ih.T, b_ih.reshape(1, 4 * D), b_hh.reshape(1, 4 * D),
                dd)
    y_view = Y.reshape(2 * N, DH)
    S = _gs_call(y_view, ei3)
    return _out_call(S, Y, dd)

# --- scband reference (transcript-rebuilt; emitter-appended) ---
"""Pipeline reference for scband-evolve-gcno-72541997629445 (READ-ONLY COPY).

The authoritative reference and input builder live on the scoring server;
editing this copy changes nothing except your own understanding.
"""

import jax, jax.numpy as jnp
import numpy as np

N = 10000
E = 320000
D = 128


def setup_inputs(seed: int = 0) -> dict:
    key = jax.random.key(seed)
    ks = jax.random.split(key, 8)
    X = jax.random.normal(ks[0], (N, D), dtype=jnp.float32)
    edge_index = jax.random.randint(ks[1], (2, E), 0, N, dtype=jnp.int32)
    # GCNConv weight [in_channels, out_channels] (bias=False)
    W = jax.random.normal(ks[2], (D, D), dtype=jnp.float32) * 0.05
    # LSTM(input_size=D, hidden_size=D, num_layers=1) parameters, gate order i,f,g,o
    W_ih = jax.random.normal(ks[3], (4 * D, D), dtype=jnp.float32) * 0.05
    W_hh = jax.random.normal(ks[4], (4 * D, D), dtype=jnp.float32) * 0.05
    b_ih = jax.random.normal(ks[5], (4 * D,), dtype=jnp.float32) * 0.05
    b_hh = jax.random.normal(ks[6], (4 * D,), dtype=jnp.float32) * 0.05
    return {"X": X, "edge_index": edge_index, "W": W, "W_ih": W_ih,
            "W_hh": W_hh, "b_ih": b_ih, "b_hh": b_hh}


def _lstm_step(W, W_ih, W_hh, b_ih, b_hh):
    # seq_len=1, batch=D (rows of W), h0=c0=0
    h0 = jnp.zeros((D, D), dtype=W.dtype)
    gates = W @ W_ih.T + h0 @ W_hh.T + b_ih + b_hh
    i, f, g, o = jnp.split(gates, 4, axis=1)
    c = jax.nn.sigmoid(i) * jnp.tanh(g)
    h = jax.nn.sigmoid(o) * jnp.tanh(c)
    return h


def _gcn_conv(X, edge_index, W):
    n = X.shape[0]
    row = edge_index[0]
    col = edge_index[1]
    # add self loops (fill value 1.0, improved=False)
    loop = jnp.arange(n, dtype=row.dtype)
    row = jnp.concatenate([row, loop])
    col = jnp.concatenate([col, loop])
    ew = jnp.ones(row.shape[0], dtype=X.dtype)
    # symmetric normalization: deg over destination (col)
    deg = jax.ops.segment_sum(ew, col, num_segments=n)
    deg_inv_sqrt = jnp.where(deg > 0, jax.lax.rsqrt(jnp.maximum(deg, 1e-12)), 0.0)
    norm = deg_inv_sqrt[row] * ew * deg_inv_sqrt[col]
    XW = X @ W
    msgs = norm[:, None] * jnp.take(XW, row, axis=0)
    out = jax.ops.segment_sum(msgs, col, num_segments=n)
    return out


def reference(X, edge_index, W, W_ih, W_hh, b_ih, b_hh):
    W_evolved = _lstm_step(W, W_ih, W_hh, b_ih, b_hh)
    return _gcn_conv(X, edge_index, W_evolved)

if __name__ == "__main__":
    import jax
    _d = setup_inputs()
    print(jax.jit(kernel)(*tuple(_d.values())))

</pallas_src>

<mosaic_0001>
#map = affine_map<(d0, d1) -> (0, 0)>
#map1 = affine_map<(d0, d1) -> (0, 0, 0)>
module attributes {stable_mosaic.version = 14 : i64} {
  func.func @_gs_body(%arg0: i32, %arg1: i32, %arg2: memref<20000x64xf32, #tpu.memory_space<hbm>>, %arg3: memref<2500x2x128xi32, #tpu.memory_space<hbm>>, %arg4: memref<10240x128xf32, #tpu.memory_space<hbm>>, %arg5: memref<157x1x128xi32, #tpu.memory_space<vmem>>, %arg6: memref<157x1x128xi32, #tpu.memory_space<vmem>>, %arg7: memref<128x64xf32, #tpu.memory_space<vmem>>, %arg8: memref<128x64xf32, #tpu.memory_space<vmem>>, %arg9: memref<128x64xf32, #tpu.memory_space<vmem>>, %arg10: memref<128x64xf32, #tpu.memory_space<vmem>>, %arg11: memref<10240x64xf32, #tpu.memory_space<vmem_shared>>, %arg12: memref<!tpu.dma_semaphore, #tpu.memory_space<semaphore_mem>>, %arg13: memref<!tpu.dma_semaphore, #tpu.memory_space<semaphore_mem>>, %arg14: memref<!tpu.dma_semaphore, #tpu.memory_space<semaphore_mem>>, %arg15: memref<!tpu.dma_semaphore, #tpu.memory_space<semaphore_mem>>) attributes {dimension_semantics = [#tpu.dimension_semantics<core_parallel>, #tpu.dimension_semantics<subcore_parallel>], iteration_bounds = array<i64: 2, 16>, scalar_prefetch = 0 : i64, scratch_operands = 11 : i64, tpu.core_type = #tpu.core_type<sc_vector_subcore>, window_params = [{transform_indices = #map}, {transform_indices = #map1}, {transform_indices = #map}]} {
    %mul3A = arith.constant 156 : i32
    %mul3A_0 = arith.muli %mul3A, %arg1 : i32
    %min3A = arith.constant 4 : i32
    %min3A_1 = arith.minsi %arg1, %min3A : i32
    %add3A = arith.addi %mul3A_0, %min3A_1 : i32
    %lt3A = arith.constant 4 : i32
    %lt3A_2 = arith.cmpi slt, %arg1, %lt3A : i32
    %convert_element_type3A = arith.extui %lt3A_2 : i1 to i32
    %add3A_3 = arith.constant 156 : i32
    %add3A_4 = arith.addi %add3A_3, %convert_element_type3A : i32
    %scan3A = arith.constant 0 : i32
    %scan3A_5 = arith.constant 0 : i32
    %scan3A_6 = arith.constant 128 : i32
    %scan3A_7 = arith.addi %scan3A_5, %scan3A_6 : i32
    %scan3A_8 = arith.constant 1 : i32
    scf.for %scan3A_85 = %scan3A_5 to %scan3A_7 step %scan3A_8  : i32 {
      %broadcast_in_dim3A_86 = arith.constant 0.000000e+00 : f32
      %broadcast_in_dim3A_87 = vector.broadcast %broadcast_in_dim3A_86 : f32 to vector<16xf32>
      %swap3A = arith.index_cast %scan3A_85 : i32 to index
      %swap3A_88 = arith.constant 0 : index
      %swap3A_89 = tpu.vector_load %arg7[%swap3A, %swap3A_88] {strides = array<i32>} : memref<128x64xf32, #tpu.memory_space<vmem>>, vector<1x16xf32>,
      %swap3A_90 = vector.shape_cast %swap3A_89 : vector<1x16xf32> to vector<16xf32>
      %swap3A_91 = vector.shape_cast %broadcast_in_dim3A_87 : vector<16xf32> to vector<1x16xf32>
      tpu.vector_store %arg7[%swap3A, %swap3A_88], %swap3A_91 {strides = array<i32>} : memref<128x64xf32, #tpu.memory_space<vmem>>, vector<1x16xf32>,
      %broadcast_in_dim3A_92 = arith.constant 0.000000e+00 : f32
      %broadcast_in_dim3A_93 = vector.broadcast %broadcast_in_dim3A_92 : f32 to vector<16xf32>
      %swap3A_94 = arith.index_cast %scan3A_85 : i32 to index
      %swap3A_95 = arith.constant 16 : index
      %swap3A_96 = tpu.vector_load %arg7[%swap3A_94, %swap3A_95] {strides = array<i32>} : memref<128x64xf32, #tpu.memory_space<vmem>>, vector<1x16xf32>,
      %swap3A_97 = vector.shape_cast %swap3A_96 : vector<1x16xf32> to vector<16xf32>
      %swap3A_98 = vector.shape_cast %broadcast_in_dim3A_93 : vector<16xf32> to vector<1x16xf32>
      tpu.vector_store %arg7[%swap3A_94, %swap3A_95], %swap3A_98 {strides = array<i32>} : memref<128x64xf32, #tpu.memory_space<vmem>>, vector<1x16xf32>,
      %broadcast_in_dim3A_99 = arith.constant 0.000000e+00 : f32
      %broadcast_in_dim3A_100 = vector.broadcast %broadcast_in_dim3A_99 : f32 to vector<16xf32>
      %swap3A_101 = arith.index_cast %scan3A_85 : i32 to index
      %swap3A_102 = arith.constant 32 : index
      %swap3A_103 = tpu.vector_load %arg7[%swap3A_101, %swap3A_102] {strides = array<i32>} : memref<128x64xf32, #tpu.memory_space<vmem>>, vector<1x16xf32>,
      %swap3A_104 = vector.shape_cast %swap3A_103 : vector<1x16xf32> to vector<16xf32>
      %swap3A_105 = vector.shape_cast %broadcast_in_dim3A_100 : vector<16xf32> to vector<1x16xf32>
      tpu.vector_store %arg7[%swap3A_101, %swap3A_102], %swap3A_105 {strides = array<i32>} : memref<128x64xf32, #tpu.memory_space<vmem>>, vector<1x16xf32>,
      %broadcast_in_dim3A_106 = arith.constant 0.000000e+00 : f32
      %broadcast_in_dim3A_107 = vector.broadcast %broadcast_in_dim3A_106 : f32 to vector<16xf32>
      %swap3A_108 = arith.index_cast %scan3A_85 : i32 to index
      %swap3A_109 = arith.constant 48 : index
      %swap3A_110 = tpu.vector_load %arg7[%swap3A_108, %swap3A_109] {strides = array<i32>} : memref<128x64xf32, #tpu.memory_space<vmem>>, vector<1x16xf32>,
      %swap3A_111 = vector.shape_cast %swap3A_110 : vector<1x16xf32> to vector<16xf32>
      %swap3A_112 = vector.shape_cast %broadcast_in_dim3A_107 : vector<16xf32> to vector<1x16xf32>
      tpu.vector_store %arg7[%swap3A_108, %swap3A_109], %swap3A_112 {strides = array<i32>} : memref<128x64xf32, #tpu.memory_space<vmem>>, vector<1x16xf32>,
    }
    %scan3A_9 = arith.constant 128 : i32
    %scan3A_10 = arith.constant 0 : i32
    %scan3A_11 = arith.constant 0 : i32
    %scan3A_12 = arith.constant 5 : i32
    %scan3A_13 = arith.addi %scan3A_11, %scan3A_12 : i32
    %scan3A_14 = arith.constant 1 : i32
    scf.for %scan3A_85 = %scan3A_11 to %scan3A_13 step %scan3A_14  : i32 {
      %mul3A_86 = arith.constant 640 : i32
      %mul3A_87 = arith.muli %arg1, %mul3A_86 : i32
      %mul3A_88 = arith.constant 128 : i32
      %mul3A_89 = arith.muli %scan3A_85, %mul3A_88 : i32
      %add3A_90 = arith.addi %mul3A_87, %mul3A_89 : i32
      "tpu.region"() ({
        %run_scoped3A = tpu.sem_alloc : memref<!tpu.dma_semaphore, #tpu.memory_space<semaphore_mem>>
        %dma_start3A_91 = arith.constant 0 : i32
        %dma_start3A_92 = tpu.memref_slice %arg11[%add3A_90, %dma_start3A_91] : memref<10240x64xf32, #tpu.memory_space<vmem_shared>> -> memref<128x64xf32, #tpu.memory_space<vmem_shared>>
        %dma_start3A_93 = arith.constant 0 : i32
        %dma_start3A_94 = tpu.memref_slice %arg11[%add3A_90, %dma_start3A_93] : memref<10240x64xf32, #tpu.memory_space<vmem_shared>> -> memref<128x64xf32, #tpu.memory_space<vmem_shared>>
        tpu.enqueue_dma source(%arg7 : memref<128x64xf32, #tpu.memory_space<vmem>>) target(%dma_start3A_94 : memref<128x64xf32, #tpu.memory_space<vmem_shared>>) target_semaphore(%run_scoped3A : memref<!tpu.dma_semaphore, #tpu.memory_space<semaphore_mem>>)
        %dma_wait3A = arith.constant 0 : i32
        %dma_wait3A_95 = tpu.memref_slice %arg11[%add3A_90, %dma_wait3A] : memref<10240x64xf32, #tpu.memory_space<vmem_shared>> -> memref<128x64xf32, #tpu.memory_space<vmem_shared>>
        %dma_wait3A_96 = arith.constant 0 : i32
        %dma_wait3A_97 = tpu.memref_slice %arg11[%add3A_90, %dma_wait3A_96] : memref<10240x64xf32, #tpu.memory_space<vmem_shared>> -> memref<128x64xf32, #tpu.memory_space<vmem_shared>>
        tpu.wait_dma2 semaphore(%run_scoped3A : memref<!tpu.dma_semaphore, #tpu.memory_space<semaphore_mem>>) src(%arg7 : memref<128x64xf32, #tpu.memory_space<vmem>>) dst(%dma_wait3A_97 : memref<128x64xf32, #tpu.memory_space<vmem_shared>>)
        tpu.yield
      }) : () -> ()
    }
    %scan3A_15 = arith.constant 5 : i32
    %barrier3A = arith.constant 0 : index
    tpu.barrier barrier_id(%barrier3A)
    %lt3A_16 = arith.constant 4 : i32
    %lt3A_17 = arith.cmpi slt, %arg1, %lt3A_16 : i32
    %convert_element_type3A_18 = arith.extui %lt3A_17 : i1 to i32
    %cond3A = arith.constant 0 : i32
    %cond3A_19 = arith.cmpi ne, %convert_element_type3A_18, %cond3A : i32
    scf.if %cond3A_19 {
      "tpu.region"() ({
        %run_scoped3A = tpu.sem_alloc : memref<!tpu.dma_semaphore, #tpu.memory_space<semaphore_mem>>
        %dma_start3A_85 = arith.constant 0 : i32
        %dma_start3A_86 = arith.constant 0 : i32
        %dma_start3A_87 = tpu.memref_slice %arg3[%add3A, %dma_start3A_85, %dma_start3A_86] : memref<2500x2x128xi32, #tpu.memory_space<hbm>> -> memref<157x1x128xi32, #tpu.memory_space<hbm>>
        %dma_start3A_88 = arith.constant 0 : i32
        %dma_start3A_89 = arith.constant 0 : i32
        %dma_start3A_90 = tpu.memref_slice %arg3[%add3A, %dma_start3A_88, %dma_start3A_89] : memref<2500x2x128xi32, #tpu.memory_space<hbm>> -> memref<157x1x128xi32, #tpu.memory_space<hbm>>
        tpu.enqueue_dma source(%dma_start3A_90 : memref<157x1x128xi32, #tpu.memory_space<hbm>>) target(%arg5 : memref<157x1x128xi32, #tpu.memory_space<vmem>>) target_semaphore(%run_scoped3A : memref<!tpu.dma_semaphore, #tpu.memory_space<semaphore_mem>>)
        %dma_wait3A = arith.constant 0 : i32
        %dma_wait3A_91 = arith.constant 0 : i32
        %dma_wait3A_92 = tpu.memref_slice %arg3[%add3A, %dma_wait3A, %dma_wait3A_91] : memref<2500x2x128xi32, #tpu.memory_space<hbm>> -> memref<157x1x128xi32, #tpu.memory_space<hbm>>
        %dma_wait3A_93 = arith.constant 0 : i32
        %dma_wait3A_94 = arith.constant 0 : i32
        %dma_wait3A_95 = tpu.memref_slice %arg3[%add3A, %dma_wait3A_93, %dma_wait3A_94] : memref<2500x2x128xi32, #tpu.memory_space<hbm>> -> memref<157x1x128xi32, #tpu.memory_space<hbm>>
        tpu.wait_dma2 semaphore(%run_scoped3A : memref<!tpu.dma_semaphore, #tpu.memory_space<semaphore_mem>>) src(%dma_wait3A_95 : memref<157x1x128xi32, #tpu.memory_space<hbm>>) dst(%arg5 : memref<157x1x128xi32, #tpu.memory_space<vmem>>)
        tpu.yield
      }) : () -> ()
      "tpu.region"() ({
        %run_scoped3A = tpu.sem_alloc : memref<!tpu.dma_semaphore, #tpu.memory_space<semaphore_mem>>
        %dma_start3A_85 = arith.constant 1 : i32
        %dma_start3A_86 = arith.constant 0 : i32
        %dma_start3A_87 = tpu.memref_slice %arg3[%add3A, %dma_start3A_85, %dma_start3A_86] : memref<2500x2x128xi32, #tpu.memory_space<hbm>> -> memref<157x1x128xi32, #tpu.memory_space<hbm>>
        %dma_start3A_88 = arith.constant 1 : i32
        %dma_start3A_89 = arith.constant 0 : i32
        %dma_start3A_90 = tpu.memref_slice %arg3[%add3A, %dma_start3A_88, %dma_start3A_89] : memref<2500x2x128xi32, #tpu.memory_space<hbm>> -> memref<157x1x128xi32, #tpu.memory_space<hbm>>
        tpu.enqueue_dma source(%dma_start3A_90 : memref<157x1x128xi32, #tpu.memory_space<hbm>>) target(%arg6 : memref<157x1x128xi32, #tpu.memory_space<vmem>>) target_semaphore(%run_scoped3A : memref<!tpu.dma_semaphore, #tpu.memory_space<semaphore_mem>>)
        %dma_wait3A = arith.constant 1 : i32
        %dma_wait3A_91 = arith.constant 0 : i32
        %dma_wait3A_92 = tpu.memref_slice %arg3[%add3A, %dma_wait3A, %dma_wait3A_91] : memref<2500x2x128xi32, #tpu.memory_space<hbm>> -> memref<157x1x128xi32, #tpu.memory_space<hbm>>
        %dma_wait3A_93 = arith.constant 1 : i32
        %dma_wait3A_94 = arith.constant 0 : i32
        %dma_wait3A_95 = tpu.memref_slice %arg3[%add3A, %dma_wait3A_93, %dma_wait3A_94] : memref<2500x2x128xi32, #tpu.memory_space<hbm>> -> memref<157x1x128xi32, #tpu.memory_space<hbm>>
        tpu.wait_dma2 semaphore(%run_scoped3A : memref<!tpu.dma_semaphore, #tpu.memory_space<semaphore_mem>>) src(%dma_wait3A_95 : memref<157x1x128xi32, #tpu.memory_space<hbm>>) dst(%arg6 : memref<157x1x128xi32, #tpu.memory_space<vmem>>)
        tpu.yield
      }) : () -> ()
    } else {
    }
    %ge3A = arith.constant 4 : i32
    %ge3A_20 = arith.cmpi sge, %arg1, %ge3A : i32
    %convert_element_type3A_21 = arith.extui %ge3A_20 : i1 to i32
    %cond3A_22 = arith.constant 0 : i32
    %cond3A_23 = arith.cmpi ne, %convert_element_type3A_21, %cond3A_22 : i32
    scf.if %cond3A_23 {
      "tpu.region"() ({
        %run_scoped3A = tpu.sem_alloc : memref<!tpu.dma_semaphore, #tpu.memory_space<semaphore_mem>>
        %dma_start3A_85 = arith.constant 0 : i32
        %dma_start3A_86 = arith.constant 0 : i32
        %dma_start3A_87 = arith.constant 0 : i32
        %dma_start3A_88 = tpu.memref_slice %arg5[%dma_start3A_85, %dma_start3A_86, %dma_start3A_87] : memref<157x1x128xi32, #tpu.memory_space<vmem>> -> memref<156x1x128xi32, #tpu.memory_space<vmem>>
        %dma_start3A_89 = arith.constant 0 : i32
        %dma_start3A_90 = arith.constant 0 : i32
        %dma_start3A_91 = tpu.memref_slice %arg3[%add3A, %dma_start3A_89, %dma_start3A_90] : memref<2500x2x128xi32, #tpu.memory_space<hbm>> -> memref<156x1x128xi32, #tpu.memory_space<hbm>>
        %dma_start3A_92 = arith.constant 0 : i32
        %dma_start3A_93 = arith.constant 0 : i32
        %dma_start3A_94 = arith.constant 0 : i32
        %dma_start3A_95 = tpu.memref_slice %arg5[%dma_start3A_92, %dma_start3A_93, %dma_start3A_94] : memref<157x1x128xi32, #tpu.memory_space<vmem>> -> memref<156x1x128xi32, #tpu.memory_space<vmem>>
        %dma_start3A_96 = arith.constant 0 : i32
        %dma_start3A_97 = arith.constant 0 : i32
        %dma_start3A_98 = tpu.memref_slice %arg3[%add3A, %dma_start3A_96, %dma_start3A_97] : memref<2500x2x128xi32, #tpu.memory_space<hbm>> -> memref<156x1x128xi32, #tpu.memory_space<hbm>>
        tpu.enqueue_dma source(%dma_start3A_98 : memref<156x1x128xi32, #tpu.memory_space<hbm>>) target(%dma_start3A_95 : memref<156x1x128xi32, #tpu.memory_space<vmem>>) target_semaphore(%run_scoped3A : memref<!tpu.dma_semaphore, #tpu.memory_space<semaphore_mem>>)
        %dma_wait3A = arith.constant 0 : i32
        %dma_wait3A_99 = arith.constant 0 : i32
        %dma_wait3A_100 = arith.constant 0 : i32
        %dma_wait3A_101 = tpu.memref_slice %arg5[%dma_wait3A, %dma_wait3A_99, %dma_wait3A_100] : memref<157x1x128xi32, #tpu.memory_space<vmem>> -> memref<156x1x128xi32, #tpu.memory_space<vmem>>
        %dma_wait3A_102 = arith.constant 0 : i32
        %dma_wait3A_103 = arith.constant 0 : i32
        %dma_wait3A_104 = tpu.memref_slice %arg3[%add3A, %dma_wait3A_102, %dma_wait3A_103] : memref<2500x2x128xi32, #tpu.memory_space<hbm>> -> memref<156x1x128xi32, #tpu.memory_space<hbm>>
        %dma_wait3A_105 = arith.constant 0 : i32
        %dma_wait3A_106 = arith.constant 0 : i32
        %dma_wait3A_107 = arith.constant 0 : i32
        %dma_wait3A_108 = tpu.memref_slice %arg5[%dma_wait3A_105, %dma_wait3A_106, %dma_wait3A_107] : memref<157x1x128xi32, #tpu.memory_space<vmem>> -> memref<156x1x128xi32, #tpu.memory_space<vmem>>
        %dma_wait3A_109 = arith.constant 0 : i32
        %dma_wait3A_110 = arith.constant 0 : i32
        %dma_wait3A_111 = tpu.memref_slice %arg3[%add3A, %dma_wait3A_109, %dma_wait3A_110] : memref<2500x2x128xi32, #tpu.memory_space<hbm>> -> memref<156x1x128xi32, #tpu.memory_space<hbm>>
        tpu.wait_dma2 semaphore(%run_scoped3A : memref<!tpu.dma_semaphore, #tpu.memory_space<semaphore_mem>>) src(%dma_wait3A_111 : memref<156x1x128xi32, #tpu.memory_space<hbm>>) dst(%dma_wait3A_108 : memref<156x1x128xi32, #tpu.memory_space<vmem>>)
        tpu.yield
      }) : () -> ()
      "tpu.region"() ({
        %run_scoped3A = tpu.sem_alloc : memref<!tpu.dma_semaphore, #tpu.memory_space<semaphore_mem>>
        %dma_start3A_85 = arith.constant 0 : i32
        %dma_start3A_86 = arith.constant 0 : i32
        %dma_start3A_87 = arith.constant 0 : i32
        %dma_start3A_88 = tpu.memref_slice %arg6[%dma_start3A_85, %dma_start3A_86, %dma_start3A_87] : memref<157x1x128xi32, #tpu.memory_space<vmem>> -> memref<156x1x128xi32, #tpu.memory_space<vmem>>
        %dma_start3A_89 = arith.constant 1 : i32
        %dma_start3A_90 = arith.constant 0 : i32
        %dma_start3A_91 = tpu.memref_slice %arg3[%add3A, %dma_start3A_89, %dma_start3A_90] : memref<2500x2x128xi32, #tpu.memory_space<hbm>> -> memref<156x1x128xi32, #tpu.memory_space<hbm>>
        %dma_start3A_92 = arith.constant 0 : i32
        %dma_start3A_93 = arith.constant 0 : i32
        %dma_start3A_94 = arith.constant 0 : i32
        %dma_start3A_95 = tpu.memref_slice %arg6[%dma_start3A_92, %dma_start3A_93, %dma_start3A_94] : memref<157x1x128xi32, #tpu.memory_space<vmem>> -> memref<156x1x128xi32, #tpu.memory_space<vmem>>
        %dma_start3A_96 = arith.constant 1 : i32
        %dma_start3A_97 = arith.constant 0 : i32
        %dma_start3A_98 = tpu.memref_slice %arg3[%add3A, %dma_start3A_96, %dma_start3A_97] : memref<2500x2x128xi32, #tpu.memory_space<hbm>> -> memref<156x1x128xi32, #tpu.memory_space<hbm>>
        tpu.enqueue_dma source(%dma_start3A_98 : memref<156x1x128xi32, #tpu.memory_space<hbm>>) target(%dma_start3A_95 : memref<156x1x128xi32, #tpu.memory_space<vmem>>) target_semaphore(%run_scoped3A : memref<!tpu.dma_semaphore, #tpu.memory_space<semaphore_mem>>)
        %dma_wait3A = arith.constant 0 : i32
        %dma_wait3A_99 = arith.constant 0 : i32
        %dma_wait3A_100 = arith.constant 0 : i32
        %dma_wait3A_101 = tpu.memref_slice %arg6[%dma_wait3A, %dma_wait3A_99, %dma_wait3A_100] : memref<157x1x128xi32, #tpu.memory_space<vmem>> -> memref<156x1x128xi32, #tpu.memory_space<vmem>>
        %dma_wait3A_102 = arith.constant 1 : i32
        %dma_wait3A_103 = arith.constant 0 : i32
        %dma_wait3A_104 = tpu.memref_slice %arg3[%add3A, %dma_wait3A_102, %dma_wait3A_103] : memref<2500x2x128xi32, #tpu.memory_space<hbm>> -> memref<156x1x128xi32, #tpu.memory_space<hbm>>
        %dma_wait3A_105 = arith.constant 0 : i32
        %dma_wait3A_106 = arith.constant 0 : i32
        %dma_wait3A_107 = arith.constant 0 : i32
        %dma_wait3A_108 = tpu.memref_slice %arg6[%dma_wait3A_105, %dma_wait3A_106, %dma_wait3A_107] : memref<157x1x128xi32, #tpu.memory_space<vmem>> -> memref<156x1x128xi32, #tpu.memory_space<vmem>>
        %dma_wait3A_109 = arith.constant 1 : i32
        %dma_wait3A_110 = arith.constant 0 : i32
        %dma_wait3A_111 = tpu.memref_slice %arg3[%add3A, %dma_wait3A_109, %dma_wait3A_110] : memref<2500x2x128xi32, #tpu.memory_space<hbm>> -> memref<156x1x128xi32, #tpu.memory_space<hbm>>
        tpu.wait_dma2 semaphore(%run_scoped3A : memref<!tpu.dma_semaphore, #tpu.memory_space<semaphore_mem>>) src(%dma_wait3A_111 : memref<156x1x128xi32, #tpu.memory_space<hbm>>) dst(%dma_wait3A_108 : memref<156x1x128xi32, #tpu.memory_space<vmem>>)
        tpu.yield
      }) : () -> ()
    } else {
    }
    %broadcast_in_dim3A = arith.constant 0 : i32
    %broadcast_in_dim3A_24 = vector.broadcast %broadcast_in_dim3A : i32 to vector<16xi32>
    %add3A_25 = vector.broadcast %arg0 : i32 to vector<16xi32>
    %add3A_26 = arith.addi %broadcast_in_dim3A_24, %add3A_25 : vector<16xi32>
    %while3A = arith.constant 0 : i32
    %while3A_27 = arith.constant 0 : i32
    %while3A_28 = arith.subi %add3A_4, %while3A_27 : i32
    %while3A_29 = arith.addi %while3A_27, %while3A_28 : i32
    %while3A_30 = arith.constant 1 : i32
    %while3A_31 = arith.divsi %while3A_28, %while3A_30 : i32
    %while3A_32 = arith.muli %while3A_31, %while3A_30 : i32
    %while3A_33 = arith.addi %while3A_27, %while3A_32 : i32
    %while3A_34 = arith.constant 1 : i32
    scf.for %while3A_85 = %while3A_27 to %while3A_33 step %while3A_34  : i32 {
      %get3A = arith.constant 0 : i32
      %get3A_86 = arith.index_cast %while3A_85 : i32 to index
      %get3A_87 = arith.index_cast %get3A : i32 to index
      %get3A_88 = arith.constant 0 : index
      %get3A_89 = tpu.vector_load %arg5[%get3A_86, %get3A_87, %get3A_88] {strides = array<i32>} : memref<157x1x128xi32, #tpu.memory_space<vmem>>, vector<1x1x16xi32>,
      %get3A_90 = vector.shape_cast %get3A_89 : vector<1x1x16xi32> to vector<16xi32>
      %add3A_91 = arith.addi %get3A_90, %get3A_90 : vector<16xi32>
      %add3A_92 = arith.addi %add3A_91, %add3A_26 : vector<16xi32>
      %swap3A = arith.constant 0 : i32
      %swap3A_93 = arith.index_cast %while3A_85 : i32 to index
      %swap3A_94 = arith.index_cast %swap3A : i32 to index
      %swap3A_95 = arith.constant 0 : index
      %swap3A_96 = tpu.vector_load %arg5[%swap3A_93, %swap3A_94, %swap3A_95] {strides = array<i32>} : memref<157x1x128xi32, #tpu.memory_space<vmem>>, vector<1x1x16xi32>,
      %swap3A_97 = vector.shape_cast %swap3A_96 : vector<1x1x16xi32> to vector<16xi32>
      %swap3A_98 = vector.shape_cast %add3A_92 : vector<16xi32> to vector<1x1x16xi32>
      tpu.vector_store %arg5[%swap3A_93, %swap3A_94, %swap3A_95], %swap3A_98 {strides = array<i32>} : memref<157x1x128xi32, #tpu.memory_space<vmem>>, vector<1x1x16xi32>,
      %get3A_99 = arith.constant 0 : i32
      %get3A_100 = arith.index_cast %while3A_85 : i32 to index
      %get3A_101 = arith.index_cast %get3A_99 : i32 to index
      %get3A_102 = arith.constant 16 : index
      %get3A_103 = tpu.vector_load %arg5[%get3A_100, %get3A_101, %get3A_102] {strides = array<i32>} : memref<157x1x128xi32, #tpu.memory_space<vmem>>, vector<1x1x16xi32>,
      %get3A_104 = vector.shape_cast %get3A_103 : vector<1x1x16xi32> to vector<16xi32>
      %add3A_105 = arith.addi %get3A_104, %get3A_104 : vector<16xi32>
      %add3A_106 = arith.addi %add3A_105, %add3A_26 : vector<16xi32>
      %swap3A_107 = arith.constant 0 : i32
      %swap3A_108 = arith.index_cast %while3A_85 : i32 to index
      %swap3A_109 = arith.index_cast %swap3A_107 : i32 to index
      %swap3A_110 = arith.constant 16 : index
      %swap3A_111 = tpu.vector_load %arg5[%swap3A_108, %swap3A_109, %swap3A_110] {strides = array<i32>} : memref<157x1x128xi32, #tpu.memory_space<vmem>>, vector<1x1x16xi32>,
      %swap3A_112 = vector.shape_cast %swap3A_111 : vector<1x1x16xi32> to vector<16xi32>
      %swap3A_113 = vector.shape_cast %add3A_106 : vector<16xi32> to vector<1x1x16xi32>
      tpu.vector_store %arg5[%swap3A_108, %swap3A_109, %swap3A_110], %swap3A_113 {strides = array<i32>} : memref<157x1x128xi32, #tpu.memory_space<vmem>>, vector<1x1x16xi32>,
      %get3A_114 = arith.constant 0 : i32
      %get3A_115 = arith.index_cast %while3A_85 : i32 to index
      %get3A_116 = arith.index_cast %get3A_114 : i32 to index
      %get3A_117 = arith.constant 32 : index
      %get3A_118 = tpu.vector_load %arg5[%get3A_115, %get3A_116, %get3A_117] {strides = array<i32>} : memref<157x1x128xi32, #tpu.memory_space<vmem>>, vector<1x1x16xi32>,
      %get3A_119 = vector.shape_cast %get3A_118 : vector<1x1x16xi32> to vector<16xi32>
      %add3A_120 = arith.addi %get3A_119, %get3A_119 : vector<16xi32>
      %add3A_121 = arith.addi %add3A_120, %add3A_26 : vector<16xi32>
      %swap3A_122 = arith.constant 0 : i32
      %swap3A_123 = arith.index_cast %while3A_85 : i32 to index
      %swap3A_124 = arith.index_cast %swap3A_122 : i32 to index
      %swap3A_125 = arith.constant 32 : index
      %swap3A_126 = tpu.vector_load %arg5[%swap3A_123, %swap3A_124, %swap3A_125] {strides = array<i32>} : memref<157x1x128xi32, #tpu.memory_space<vmem>>, vector<1x1x16xi32>,
      %swap3A_127 = vector.shape_cast %swap3A_126 : vector<1x1x16xi32> to vector<16xi32>
      %swap3A_128 = vector.shape_cast %add3A_121 : vector<16xi32> to vector<1x1x16xi32>
      tpu.vector_store %arg5[%swap3A_123, %swap3A_124, %swap3A_125], %swap3A_128 {strides = array<i32>} : memref<157x1x128xi32, #tpu.memory_space<vmem>>, vector<1x1x16xi32>,
      %get3A_129 = arith.constant 0 : i32
      %get3A_130 = arith.index_cast %while3A_85 : i32 to index
      %get3A_131 = arith.index_cast %get3A_129 : i32 to index
      %get3A_132 = arith.constant 48 : index
      %get3A_133 = tpu.vector_load %arg5[%get3A_130, %get3A_131, %get3A_132] {strides = array<i32>} : memref<157x1x128xi32, #tpu.memory_space<vmem>>, vector<1x1x16xi32>,
      %get3A_134 = vector.shape_cast %get3A_133 : vector<1x1x16xi32> to vector<16xi32>
      %add3A_135 = arith.addi %get3A_134, %get3A_134 : vector<16xi32>
      %add3A_136 = arith.addi %add3A_135, %add3A_26 : vector<16xi32>
      %swap3A_137 = arith.constant 0 : i32
      %swap3A_138 = arith.index_cast %while3A_85 : i32 to index
      %swap3A_139 = arith.index_cast %swap3A_137 : i32 to index
      %swap3A_140 = arith.constant 48 : index
      %swap3A_141 = tpu.vector_load %arg5[%swap3A_138, %swap3A_139, %swap3A_140] {strides = array<i32>} : memref<157x1x128xi32, #tpu.memory_space<vmem>>, vector<1x1x16xi32>,
      %swap3A_142 = vector.shape_cast %swap3A_141 : vector<1x1x16xi32> to vector<16xi32>
      %swap3A_143 = vector.shape_cast %add3A_136 : vector<16xi32> to vector<1x1x16xi32>
      tpu.vector_store %arg5[%swap3A_138, %swap3A_139, %swap3A_140], %swap3A_143 {strides = array<i32>} : memref<157x1x128xi32, #tpu.memory_space<vmem>>, vector<1x1x16xi32>,
      %get3A_144 = arith.constant 0 : i32
      %get3A_145 = arith.index_cast %while3A_85 : i32 to index
      %get3A_146 = arith.index_cast %get3A_144 : i32 to index
      %get3A_147 = arith.constant 64 : index
      %get3A_148 = tpu.vector_load %arg5[%get3A_145, %get3A_146, %get3A_147] {strides = array<i32>} : memref<157x1x128xi32, #tpu.memory_space<vmem>>, vector<1x1x16xi32>,
      %get3A_149 = vector.shape_cast %get3A_148 : vector<1x1x16xi32> to vector<16xi32>
      %add3A_150 = arith.addi %get3A_149, %get3A_149 : vector<16xi32>
      %add3A_151 = arith.addi %add3A_150, %add3A_26 : vector<16xi32>
      %swap3A_152 = arith.constant 0 : i32
      %swap3A_153 = arith.index_cast %while3A_85 : i32 to index
      %swap3A_154 = arith.index_cast %swap3A_152 : i32 to index
      %swap3A_155 = arith.constant 64 : index
      %swap3A_156 = tpu.vector_load %arg5[%swap3A_153, %swap3A_154, %swap3A_155] {strides = array<i32>} : memref<157x1x128xi32, #tpu.memory_space<vmem>>, vector<1x1x16xi32>,
      %swap3A_157 = vector.shape_cast %swap3A_156 : vector<1x1x16xi32> to vector<16xi32>
      %swap3A_158 = vector.shape_cast %add3A_151 : vector<16xi32> to vector<1x1x16xi32>
      tpu.vector_store %arg5[%swap3A_153, %swap3A_154, %swap3A_155], %swap3A_158 {strides = array<i32>} : memref<157x1x128xi32, #tpu.memory_space<vmem>>, vector<1x1x16xi32>,
      %get3A_159 = arith.constant 0 : i32
      %get3A_160 = arith.index_cast %while3A_85 : i32 to index
      %get3A_161 = arith.index_cast %get3A_159 : i32 to index
      %get3A_162 = arith.constant 80 : index
      %get3A_163 = tpu.vector_load %arg5[%get3A_160, %get3A_161, %get3A_162] {strides = array<i32>} : memref<157x1x128xi32, #tpu.memory_space<vmem>>, vector<1x1x16xi32>,
      %get3A_164 = vector.shape_cast %get3A_163 : vector<1x1x16xi32> to vector<16xi32>
      %add3A_165 = arith.addi %get3A_164, %get3A_164 : vector<16xi32>
      %add3A_166 = arith.addi %add3A_165, %add3A_26 : vector<16xi32>
      %swap3A_167 = arith.constant 0 : i32
      %swap3A_168 = arith.index_cast %while3A_85 : i32 to index
      %swap3A_169 = arith.index_cast %swap3A_167 : i32 to index
      %swap3A_170 = arith.constant 80 : index
      %swap3A_171 = tpu.vector_load %arg5[%swap3A_168, %swap3A_169, %swap3A_170] {strides = array<i32>} : memref<157x1x128xi32, #tpu.memory_space<vmem>>, vector<1x1x16xi32>,
      %swap3A_172 = vector.shape_cast %swap3A_171 : vector<1x1x16xi32> to vector<16xi32>
      %swap3A_173 = vector.shape_cast %add3A_166 : vector<16xi32> to vector<1x1x16xi32>
      tpu.vector_store %arg5[%swap3A_168, %swap3A_169, %swap3A_170], %swap3A_173 {strides = array<i32>} : memref<157x1x128xi32, #tpu.memory_space<vmem>>, vector<1x1x16xi32>,
      %get3A_174 = arith.constant 0 : i32
      %get3A_175 = arith.index_cast %while3A_85 : i32 to index
      %get3A_176 = arith.index_cast %get3A_174 : i32 to index
      %get3A_177 = arith.constant 96 : index
      %get3A_178 = tpu.vector_load %arg5[%get3A_175, %get3A_176, %get3A_177] {strides = array<i32>} : memref<157x1x128xi32, #tpu.memory_space<vmem>>, vector<1x1x16xi32>,
      %get3A_179 = vector.shape_cast %get3A_178 : vector<1x1x16xi32> to vector<16xi32>
      %add3A_180 = arith.addi %get3A_179, %get3A_179 : vector<16xi32>
      %add3A_181 = arith.addi %add3A_180, %add3A_26 : vector<16xi32>
      %swap3A_182 = arith.constant 0 : i32
      %swap3A_183 = arith.index_cast %while3A_85 : i32 to index
      %swap3A_184 = arith.index_cast %swap3A_182 : i32 to index
      %swap3A_185 = arith.constant 96 : index
      %swap3A_186 = tpu.vector_load %arg5[%swap3A_183, %swap3A_184, %swap3A_185] {strides = array<i32>} : memref<157x1x128xi32, #tpu.memory_space<vmem>>, vector<1x1x16xi32>,
      %swap3A_187 = vector.shape_cast %swap3A_186 : vector<1x1x16xi32> to vector<16xi32>
      %swap3A_188 = vector.shape_cast %add3A_181 : vector<16xi32> to vector<1x1x16xi32>
      tpu.vector_store %arg5[%swap3A_183, %swap3A_184, %swap3A_185], %swap3A_188 {strides = array<i32>} : memref<157x1x128xi32, #tpu.memory_space<vmem>>, vector<1x1x16xi32>,
      %get3A_189 = arith.constant 0 : i32
      %get3A_190 = arith.index_cast %while3A_85 : i32 to index
      %get3A_191 = arith.index_cast %get3A_189 : i32 to index
      %get3A_192 = arith.constant 112 : index
      %get3A_193 = tpu.vector_load %arg5[%get3A_190, %get3A_191, %get3A_192] {strides = array<i32>} : memref<157x1x128xi32, #tpu.memory_space<vmem>>, vector<1x1x16xi32>,
      %get3A_194 = vector.shape_cast %get3A_193 : vector<1x1x16xi32> to vector<16xi32>
      %add3A_195 = arith.addi %get3A_194, %get3A_194 : vector<16xi32>
      %add3A_196 = arith.addi %add3A_195, %add3A_26 : vector<16xi32>
      %swap3A_197 = arith.constant 0 : i32
      %swap3A_198 = arith.index_cast %while3A_85 : i32 to index
      %swap3A_199 = arith.index_cast %swap3A_197 : i32 to index
      %swap3A_200 = arith.constant 112 : index
      %swap3A_201 = tpu.vector_load %arg5[%swap3A_198, %swap3A_199, %swap3A_200] {strides = array<i32>} : memref<157x1x128xi32, #tpu.memory_space<vmem>>, vector<1x1x16xi32>,
      %swap3A_202 = vector.shape_cast %swap3A_201 : vector<1x1x16xi32> to vector<16xi32>
      %swap3A_203 = vector.shape_cast %add3A_196 : vector<16xi32> to vector<1x1x16xi32>
      tpu.vector_store %arg5[%swap3A_198, %swap3A_199, %swap3A_200], %swap3A_203 {strides = array<i32>} : memref<157x1x128xi32, #tpu.memory_space<vmem>>, vector<1x1x16xi32>,
    }
    %while3A_35 = arith.constant 1 : i32
    scf.for %while3A_85 = %while3A_33 to %while3A_29 step %while3A_35  : i32 {
      %get3A = arith.constant 0 : i32
      %get3A_86 = arith.index_cast %while3A_85 : i32 to index
      %get3A_87 = arith.index_cast %get3A : i32 to index
      %get3A_88 = arith.constant 0 : index
      %get3A_89 = tpu.vector_load %arg5[%get3A_86, %get3A_87, %get3A_88] {strides = array<i32>} : memref<157x1x128xi32, #tpu.memory_space<vmem>>, vector<1x1x16xi32>,
      %get3A_90 = vector.shape_cast %get3A_89 : vector<1x1x16xi32> to vector<16xi32>
      %add3A_91 = arith.addi %get3A_90, %get3A_90 : vector<16xi32>
      %add3A_92 = arith.addi %add3A_91, %add3A_26 : vector<16xi32>
      %swap3A = arith.constant 0 : i32
      %swap3A_93 = arith.index_cast %while3A_85 : i32 to index
      %swap3A_94 = arith.index_cast %swap3A : i32 to index
      %swap3A_95 = arith.constant 0 : index
      %swap3A_96 = tpu.vector_load %arg5[%swap3A_93, %swap3A_94, %swap3A_95] {strides = array<i32>} : memref<157x1x128xi32, #tpu.memory_space<vmem>>, vector<1x1x16xi32>,
      %swap3A_97 = vector.shape_cast %swap3A_96 : vector<1x1x16xi32> to vector<16xi32>
      %swap3A_98 = vector.shape_cast %add3A_92 : vector<16xi32> to vector<1x1x16xi32>
      tpu.vector_store %arg5[%swap3A_93, %swap3A_94, %swap3A_95], %swap3A_98 {strides = array<i32>} : memref<157x1x128xi32, #tpu.memory_space<vmem>>, vector<1x1x16xi32>,
      %get3A_99 = arith.constant 0 : i32
      %get3A_100 = arith.index_cast %while3A_85 : i32 to index
      %get3A_101 = arith.index_cast %get3A_99 : i32 to index
      %get3A_102 = arith.constant 16 : index
      %get3A_103 = tpu.vector_load %arg5[%get3A_100, %get3A_101, %get3A_102] {strides = array<i32>} : memref<157x1x128xi32, #tpu.memory_space<vmem>>, vector<1x1x16xi32>,
      %get3A_104 = vector.shape_cast %get3A_103 : vector<1x1x16xi32> to vector<16xi32>
      %add3A_105 = arith.addi %get3A_104, %get3A_104 : vector<16xi32>
      %add3A_106 = arith.addi %add3A_105, %add3A_26 : vector<16xi32>
      %swap3A_107 = arith.constant 0 : i32
      %swap3A_108 = arith.index_cast %while3A_85 : i32 to index
      %swap3A_109 = arith.index_cast %swap3A_107 : i32 to index
      %swap3A_110 = arith.constant 16 : index
      %swap3A_111 = tpu.vector_load %arg5[%swap3A_108, %swap3A_109, %swap3A_110] {strides = array<i32>} : memref<157x1x128xi32, #tpu.memory_space<vmem>>, vector<1x1x16xi32>,
      %swap3A_112 = vector.shape_cast %swap3A_111 : vector<1x1x16xi32> to vector<16xi32>
      %swap3A_113 = vector.shape_cast %add3A_106 : vector<16xi32> to vector<1x1x16xi32>
      tpu.vector_store %arg5[%swap3A_108, %swap3A_109, %swap3A_110], %swap3A_113 {strides = array<i32>} : memref<157x1x128xi32, #tpu.memory_space<vmem>>, vector<1x1x16xi32>,
      %get3A_114 = arith.constant 0 : i32
      %get3A_115 = arith.index_cast %while3A_85 : i32 to index
      %get3A_116 = arith.index_cast %get3A_114 : i32 to index
      %get3A_117 = arith.constant 32 : index
      %get3A_118 = tpu.vector_load %arg5[%get3A_115, %get3A_116, %get3A_117] {strides = array<i32>} : memref<157x1x128xi32, #tpu.memory_space<vmem>>, vector<1x1x16xi32>,
      %get3A_119 = vector.shape_cast %get3A_118 : vector<1x1x16xi32> to vector<16xi32>
      %add3A_120 = arith.addi %get3A_119, %get3A_119 : vector<16xi32>
      %add3A_121 = arith.addi %add3A_120, %add3A_26 : vector<16xi32>
      %swap3A_122 = arith.constant 0 : i32
      %swap3A_123 = arith.index_cast %while3A_85 : i32 to index
      %swap3A_124 = arith.index_cast %swap3A_122 : i32 to index
      %swap3A_125 = arith.constant 32 : index
      %swap3A_126 = tpu.vector_load %arg5[%swap3A_123, %swap3A_124, %swap3A_125] {strides = array<i32>} : memref<157x1x128xi32, #tpu.memory_space<vmem>>, vector<1x1x16xi32>,
      %swap3A_127 = vector.shape_cast %swap3A_126 : vector<1x1x16xi32> to vector<16xi32>
      %swap3A_128 = vector.shape_cast %add3A_121 : vector<16xi32> to vector<1x1x16xi32>
      tpu.vector_store %arg5[%swap3A_123, %swap3A_124, %swap3A_125], %swap3A_128 {strides = array<i32>} : memref<157x1x128xi32, #tpu.memory_space<vmem>>, vector<1x1x16xi32>,
      %get3A_129 = arith.constant 0 : i32
      %get3A_130 = arith.index_cast %while3A_85 : i32 to index
      %get3A_131 = arith.index_cast %get3A_129 : i32 to index
      %get3A_132 = arith.constant 48 : index
      %get3A_133 = tpu.vector_load %arg5[%get3A_130, %get3A_131, %get3A_132] {strides = array<i32>} : memref<157x1x128xi32, #tpu.memory_space<vmem>>, vector<1x1x16xi32>,
      %get3A_134 = vector.shape_cast %get3A_133 : vector<1x1x16xi32> to vector<16xi32>
      %add3A_135 = arith.addi %get3A_134, %get3A_134 : vector<16xi32>
      %add3A_136 = arith.addi %add3A_135, %add3A_26 : vector<16xi32>
      %swap3A_137 = arith.constant 0 : i32
      %swap3A_138 = arith.index_cast %while3A_85 : i32 to index
      %swap3A_139 = arith.index_cast %swap3A_137 : i32 to index
      %swap3A_140 = arith.constant 48 : index
      %swap3A_141 = tpu.vector_load %arg5[%swap3A_138, %swap3A_139, %swap3A_140] {strides = array<i32>} : memref<157x1x128xi32, #tpu.memory_space<vmem>>, vector<1x1x16xi32>,
      %swap3A_142 = vector.shape_cast %swap3A_141 : vector<1x1x16xi32> to vector<16xi32>
      %swap3A_143 = vector.shape_cast %add3A_136 : vector<16xi32> to vector<1x1x16xi32>
      tpu.vector_store %arg5[%swap3A_138, %swap3A_139, %swap3A_140], %swap3A_143 {strides = array<i32>} : memref<157x1x128xi32, #tpu.memory_space<vmem>>, vector<1x1x16xi32>,
      %get3A_144 = arith.constant 0 : i32
      %get3A_145 = arith.index_cast %while3A_85 : i32 to index
      %get3A_146 = arith.index_cast %get3A_144 : i32 to index
      %get3A_147 = arith.constant 64 : index
      %get3A_148 = tpu.vector_load %arg5[%get3A_145, %get3A_146, %get3A_147] {strides = array<i32>} : memref<157x1x128xi32, #tpu.memory_space<vmem>>, vector<1x1x16xi32>,
      %get3A_149 = vector.shape_cast %get3A_148 : vector<1x1x16xi32> to vector<16xi32>
      %add3A_150 = arith.addi %get3A_149, %get3A_149 : vector<16xi32>
      %add3A_151 = arith.addi %add3A_150, %add3A_26 : vector<16xi32>
      %swap3A_152 = arith.constant 0 : i32
      %swap3A_153 = arith.index_cast %while3A_85 : i32 to index
      %swap3A_154 = arith.index_cast %swap3A_152 : i32 to index
      %swap3A_155 = arith.constant 64 : index
      %swap3A_156 = tpu.vector_load %arg5[%swap3A_153, %swap3A_154, %swap3A_155] {strides = array<i32>} : memref<157x1x128xi32, #tpu.memory_space<vmem>>, vector<1x1x16xi32>,
      %swap3A_157 = vector.shape_cast %swap3A_156 : vector<1x1x16xi32> to vector<16xi32>
      %swap3A_158 = vector.shape_cast %add3A_151 : vector<16xi32> to vector<1x1x16xi32>
      tpu.vector_store %arg5[%swap3A_153, %swap3A_154, %swap3A_155], %swap3A_158 {strides = array<i32>} : memref<157x1x128xi32, #tpu.memory_space<vmem>>, vector<1x1x16xi32>,
      %get3A_159 = arith.constant 0 : i32
      %get3A_160 = arith.index_cast %while3A_85 : i32 to index
      %get3A_161 = arith.index_cast %get3A_159 : i32 to index
      %get3A_162 = arith.constant 80 : index
      %get3A_163 = tpu.vector_load %arg5[%get3A_160, %get3A_161, %get3A_162] {strides = array<i32>} : memref<157x1x128xi32, #tpu.memory_space<vmem>>, vector<1x1x16xi32>,
      %get3A_164 = vector.shape_cast %get3A_163 : vector<1x1x16xi32> to vector<16xi32>
      %add3A_165 = arith.addi %get3A_164, %get3A_164 : vector<16xi32>
      %add3A_166 = arith.addi %add3A_165, %add3A_26 : vector<16xi32>
      %swap3A_167 = arith.constant 0 : i32
      %swap3A_168 = arith.index_cast %while3A_85 : i32 to index
      %swap3A_169 = arith.index_cast %swap3A_167 : i32 to index
      %swap3A_170 = arith.constant 80 : index
      %swap3A_171 = tpu.vector_load %arg5[%swap3A_168, %swap3A_169, %swap3A_170] {strides = array<i32>} : memref<157x1x128xi32, #tpu.memory_space<vmem>>, vector<1x1x16xi32>,
      %swap3A_172 = vector.shape_cast %swap3A_171 : vector<1x1x16xi32> to vector<16xi32>
      %swap3A_173 = vector.shape_cast %add3A_166 : vector<16xi32> to vector<1x1x16xi32>
      tpu.vector_store %arg5[%swap3A_168, %swap3A_169, %swap3A_170], %swap3A_173 {strides = array<i32>} : memref<157x1x128xi32, #tpu.memory_space<vmem>>, vector<1x1x16xi32>,
      %get3A_174 = arith.constant 0 : i32
      %get3A_175 = arith.index_cast %while3A_85 : i32 to index
      %get3A_176 = arith.index_cast %get3A_174 : i32 to index
      %get3A_177 = arith.constant 96 : index
      %get3A_178 = tpu.vector_load %arg5[%get3A_175, %get3A_176, %get3A_177] {strides = array<i32>} : memref<157x1x128xi32, #tpu.memory_space<vmem>>, vector<1x1x16xi32>,
      %get3A_179 = vector.shape_cast %get3A_178 : vector<1x1x16xi32> to vector<16xi32>
      %add3A_180 = arith.addi %get3A_179, %get3A_179 : vector<16xi32>
      %add3A_181 = arith.addi %add3A_180, %add3A_26 : vector<16xi32>
      %swap3A_182 = arith.constant 0 : i32
      %swap3A_183 = arith.index_cast %while3A_85 : i32 to index
      %swap3A_184 = arith.index_cast %swap3A_182 : i32 to index
      %swap3A_185 = arith.constant 96 : index
      %swap3A_186 = tpu.vector_load %arg5[%swap3A_183, %swap3A_184, %swap3A_185] {strides = array<i32>} : memref<157x1x128xi32, #tpu.memory_space<vmem>>, vector<1x1x16xi32>,
      %swap3A_187 = vector.shape_cast %swap3A_186 : vector<1x1x16xi32> to vector<16xi32>
      %swap3A_188 = vector.shape_cast %add3A_181 : vector<16xi32> to vector<1x1x16xi32>
      tpu.vector_store %arg5[%swap3A_183, %swap3A_184, %swap3A_185], %swap3A_188 {strides = array<i32>} : memref<157x1x128xi32, #tpu.memory_space<vmem>>, vector<1x1x16xi32>,
      %get3A_189 = arith.constant 0 : i32
      %get3A_190 = arith.index_cast %while3A_85 : i32 to index
      %get3A_191 = arith.index_cast %get3A_189 : i32 to index
      %get3A_192 = arith.constant 112 : index
      %get3A_193 = tpu.vector_load %arg5[%get3A_190, %get3A_191, %get3A_192] {strides = array<i32>} : memref<157x1x128xi32, #tpu.memory_space<vmem>>, vector<1x1x16xi32>,
      %get3A_194 = vector.shape_cast %get3A_193 : vector<1x1x16xi32> to vector<16xi32>
      %add3A_195 = arith.addi %get3A_194, %get3A_194 : vector<16xi32>
      %add3A_196 = arith.addi %add3A_195, %add3A_26 : vector<16xi32>
      %swap3A_197 = arith.constant 0 : i32
      %swap3A_198 = arith.index_cast %while3A_85 : i32 to index
      %swap3A_199 = arith.index_cast %swap3A_197 : i32 to index
      %swap3A_200 = arith.constant 112 : index
      %swap3A_201 = tpu.vector_load %arg5[%swap3A_198, %swap3A_199, %swap3A_200] {strides = array<i32>} : memref<157x1x128xi32, #tpu.memory_space<vmem>>, vector<1x1x16xi32>,
      %swap3A_202 = vector.shape_cast %swap3A_201 : vector<1x1x16xi32> to vector<16xi32>
      %swap3A_203 = vector.shape_cast %add3A_196 : vector<16xi32> to vector<1x1x16xi32>
      tpu.vector_store %arg5[%swap3A_198, %swap3A_199, %swap3A_200], %swap3A_203 {strides = array<i32>} : memref<157x1x128xi32, #tpu.memory_space<vmem>>, vector<1x1x16xi32>,
    }
    %dma_start3A = arith.constant 0 : i32
    %dma_start3A_36 = arith.constant 0 : i32
    %dma_start3A_37 = arith.constant 0 : i32
    %dma_start3A_38 = tpu.memref_slice %arg5[%dma_start3A, %dma_start3A_36, %dma_start3A_37] : memref<157x1x128xi32, #tpu.memory_space<vmem>> -> memref<1x1x128xi32, #tpu.memory_space<vmem>>
    %dma_start3A_39 = tpu.memref_squeeze %dma_start3A_38 : memref<1x1x128xi32, #tpu.memory_space<vmem>> -> memref<128xi32, #tpu.memory_space<vmem>>
    %dma_start3A_40 = arith.constant 0 : i32
    %dma_start3A_41 = arith.constant 0 : i32
    %dma_start3A_42 = tpu.memref_slice %arg2[%dma_start3A_40, %dma_start3A_41] : memref<20000x64xf32, #tpu.memory_space<hbm>> -> memref<20000x64xf32, #tpu.memory_space<hbm>>
    tpu.enqueue_indirect_dma source(%dma_start3A_42 : memref<20000x64xf32, #tpu.memory_space<hbm>>) target(%arg7 : memref<128x64xf32, #tpu.memory_space<vmem>>) offsets(%dma_start3A_39 : memref<128xi32, #tpu.memory_space<vmem>>) semaphore(%arg12 : memref<!tpu.dma_semaphore, #tpu.memory_space<semaphore_mem>>)
    %dma_start3A_43 = arith.constant 1 : i32
    %dma_start3A_44 = arith.constant 0 : i32
    %dma_start3A_45 = arith.constant 0 : i32
    %dma_start3A_46 = tpu.memref_slice %arg5[%dma_start3A_43, %dma_start3A_44, %dma_start3A_45] : memref<157x1x128xi32, #tpu.memory_space<vmem>> -> memref<1x1x128xi32, #tpu.memory_space<vmem>>
    %dma_start3A_47 = tpu.memref_squeeze %dma_start3A_46 : memref<1x1x128xi32, #tpu.memory_space<vmem>> -> memref<128xi32, #tpu.memory_space<vmem>>
    %dma_start3A_48 = arith.constant 0 : i32
    %dma_start3A_49 = arith.constant 0 : i32
    %dma_start3A_50 = tpu.memref_slice %arg2[%dma_start3A_48, %dma_start3A_49] : memref<20000x64xf32, #tpu.memory_space<hbm>> -> memref<20000x64xf32, #tpu.memory_space<hbm>>
    tpu.enqueue_indirect_dma source(%dma_start3A_50 : memref<20000x64xf32, #tpu.memory_space<hbm>>) target(%arg8 : memref<128x64xf32, #tpu.memory_space<vmem>>) offsets(%dma_start3A_47 : memref<128xi32, #tpu.memory_space<vmem>>) semaphore(%arg13 : memref<!tpu.dma_semaphore, #tpu.memory_space<semaphore_mem>>)
    %dma_start3A_51 = arith.constant 2 : i32
    %dma_start3A_52 = arith.constant 0 : i32
    %dma_start3A_53 = arith.constant 0 : i32
    %dma_start3A_54 = tpu.memref_slice %arg5[%dma_start3A_51, %dma_start3A_52, %dma_start3A_53] : memref<157x1x128xi32, #tpu.memory_space<vmem>> -> memref<1x1x128xi32, #tpu.memory_space<vmem>>
    %dma_start3A_55 = tpu.memref_squeeze %dma_start3A_54 : memref<1x1x128xi32, #tpu.memory_space<vmem>> -> memref<128xi32, #tpu.memory_space<vmem>>
    %dma_start3A_56 = arith.constant 0 : i32
    %dma_start3A_57 = arith.constant 0 : i32
    %dma_start3A_58 = tpu.memref_slice %arg2[%dma_start3A_56, %dma_start3A_57] : memref<20000x64xf32, #tpu.memory_space<hbm>> -> memref<20000x64xf32, #tpu.memory_space<hbm>>
    tpu.enqueue_indirect_dma source(%dma_start3A_58 : memref<20000x64xf32, #tpu.memory_space<hbm>>) target(%arg9 : memref<128x64xf32, #tpu.memory_space<vmem>>) offsets(%dma_start3A_55 : memref<128xi32, #tpu.memory_space<vmem>>) semaphore(%arg14 : memref<!tpu.dma_semaphore, #tpu.memory_space<semaphore_mem>>)
    %dma_start3A_59 = arith.constant 3 : i32
    %dma_start3A_60 = arith.constant 0 : i32
    %dma_start3A_61 = arith.constant 0 : i32
    %dma_start3A_62 = tpu.memref_slice %arg5[%dma_start3A_59, %dma_start3A_60, %dma_start3A_61] : memref<157x1x128xi32, #tpu.memory_space<vmem>> -> memref<1x1x128xi32, #tpu.memory_space<vmem>>
    %dma_start3A_63 = tpu.memref_squeeze %dma_start3A_62 : memref<1x1x128xi32, #tpu.memory_space<vmem>> -> memref<128xi32, #tpu.memory_space<vmem>>
    %dma_start3A_64 = arith.constant 0 : i32
    %dma_start3A_65 = arith.constant 0 : i32
    %dma_start3A_66 = tpu.memref_slice %arg2[%dma_start3A_64, %dma_start3A_65] : memref<20000x64xf32, #tpu.memory_space<hbm>> -> memref<20000x64xf32, #tpu.memory_space<hbm>>
    tpu.enqueue_indirect_dma source(%dma_start3A_66 : memref<20000x64xf32, #tpu.memory_space<hbm>>) target(%arg10 : memref<128x64xf32, #tpu.memory_space<vmem>>) offsets(%dma_start3A_63 : memref<128xi32, #tpu.memory_space<vmem>>) semaphore(%arg15 : memref<!tpu.dma_semaphore, #tpu.memory_space<semaphore_mem>>)
    %scan3A_67 = arith.constant 0 : i32
    %scan3A_68 = arith.constant 0 : i32
    %scan3A_69 = arith.constant 39 : i32
    %scan3A_70 = arith.addi %scan3A_68, %scan3A_69 : i32
    %scan3A_71 = arith.constant 1 : i32
    scf.for %scan3A_85 = %scan3A_68 to %scan3A_70 step %scan3A_71  : i32 {
      %mul3A_86 = arith.constant 4 : i32
      %mul3A_87 = arith.muli %scan3A_85, %mul3A_86 : i32
      %add3A_88 = arith.constant 0 : i32
      %add3A_89 = arith.addi %mul3A_87, %add3A_88 : i32
      %dma_wait3A = arith.constant 0 : i32
      %dma_wait3A_90 = arith.constant 0 : i32
      %dma_wait3A_91 = tpu.memref_slice %arg5[%add3A_89, %dma_wait3A, %dma_wait3A_90] : memref<157x1x128xi32, #tpu.memory_space<vmem>> -> memref<1x1x128xi32, #tpu.memory_space<vmem>>
      %dma_wait3A_92 = tpu.memref_squeeze %dma_wait3A_91 : memref<1x1x128xi32, #tpu.memory_space<vmem>> -> memref<128xi32, #tpu.memory_space<vmem>>
      %dma_wait3A_93 = arith.constant 0 : i32
      %dma_wait3A_94 = arith.constant 0 : i32
      %dma_wait3A_95 = tpu.memref_slice %arg2[%dma_wait3A_93, %dma_wait3A_94] : memref<20000x64xf32, #tpu.memory_space<hbm>> -> memref<20000x64xf32, #tpu.memory_space<hbm>>
      tpu.wait_indirect_dma semaphore(%arg12 : memref<!tpu.dma_semaphore, #tpu.memory_space<semaphore_mem>>) src(%dma_wait3A_95 : memref<20000x64xf32, #tpu.memory_space<hbm>>) dst(%arg7 : memref<128x64xf32, #tpu.memory_space<vmem>>)
      %run_scoped3A = arith.constant 0 : i32
      "tpu.region"() ({
        %run_scoped3A_156 = tpu.sem_alloc : memref<!tpu.dma_semaphore, #tpu.memory_space<semaphore_mem>>
        %dma_start3A_157 = arith.constant 0 : i32
        %dma_start3A_158 = tpu.memref_slice %arg6[%add3A_89, %run_scoped3A, %dma_start3A_157] : memref<157x1x128xi32, #tpu.memory_space<vmem>> -> memref<1x1x128xi32, #tpu.memory_space<vmem>>
        %dma_start3A_159 = tpu.memref_squeeze %dma_start3A_158 : memref<1x1x128xi32, #tpu.memory_space<vmem>> -> memref<128xi32, #tpu.memory_space<vmem>>
        %dma_start3A_160 = arith.constant 0 : i32
        %dma_start3A_161 = arith.constant 0 : i32
        %dma_start3A_162 = tpu.memref_slice %arg11[%dma_start3A_160, %dma_start3A_161] : memref<10240x64xf32, #tpu.memory_space<vmem_shared>> -> memref<10240x64xf32, #tpu.memory_space<vmem_shared>>
        tpu.enqueue_indirect_dma source(%arg7 : memref<128x64xf32, #tpu.memory_space<vmem>>) target(%dma_start3A_162 : memref<10240x64xf32, #tpu.memory_space<vmem_shared>>) offsets(%dma_start3A_159 : memref<128xi32, #tpu.memory_space<vmem>>) semaphore(%run_scoped3A_156 : memref<!tpu.dma_semaphore, #tpu.memory_space<semaphore_mem>>) {add = true}
        %dma_wait3A_163 = arith.constant 0 : i32
        %dma_wait3A_164 = tpu.memref_slice %arg6[%add3A_89, %run_scoped3A, %dma_wait3A_163] : memref<157x1x128xi32, #tpu.memory_space<vmem>> -> memref<1x1x128xi32, #tpu.memory_space<vmem>>
        %dma_wait3A_165 = tpu.memref_squeeze %dma_wait3A_164 : memref<1x1x128xi32, #tpu.memory_space<vmem>> -> memref<128xi32, #tpu.memory_space<vmem>>
        %dma_wait3A_166 = arith.constant 0 : i32
        %dma_wait3A_167 = arith.constant 0 : i32
        %dma_wait3A_168 = tpu.memref_slice %arg11[%dma_wait3A_166, %dma_wait3A_167] : memref<10240x64xf32, #tpu.memory_space<vmem_shared>> -> memref<10240x64xf32, #tpu.memory_space<vmem_shared>>
        tpu.wait_indirect_dma semaphore(%run_scoped3A_156 : memref<!tpu.dma_semaphore, #tpu.memory_space<semaphore_mem>>) src(%arg7 : memref<128x64xf32, #tpu.memory_space<vmem>>) dst(%dma_wait3A_168 : memref<10240x64xf32, #tpu.memory_space<vmem_shared>>)
        tpu.yield
      }) : () -> ()
      %add3A_96 = arith.constant 4 : i32
      %add3A_97 = arith.addi %add3A_89, %add3A_96 : i32
      %lt3A_98 = arith.cmpi slt, %add3A_97, %add3A_4 : i32
      %convert_element_type3A_99 = arith.extui %lt3A_98 : i1 to i32
      %cond3A_100 = arith.constant 0 : i32
      %cond3A_101 = arith.cmpi ne, %convert_element_type3A_99, %cond3A_100 : i32
      scf.if %cond3A_101 {
        %add3A_156 = arith.constant 4 : i32
        %add3A_157 = arith.addi %add3A_89, %add3A_156 : i32
        %dma_start3A_158 = arith.constant 0 : i32
        %dma_start3A_159 = arith.constant 0 : i32
        %dma_start3A_160 = tpu.memref_slice %arg5[%add3A_157, %dma_start3A_158, %dma_start3A_159] : memref<157x1x128xi32, #tpu.memory_space<vmem>> -> memref<1x1x128xi32, #tpu.memory_space<vmem>>
        %dma_start3A_161 = tpu.memref_squeeze %dma_start3A_160 : memref<1x1x128xi32, #tpu.memory_space<vmem>> -> memref<128xi32, #tpu.memory_space<vmem>>
        %dma_start3A_162 = arith.constant 0 : i32
        %dma_start3A_163 = arith.constant 0 : i32
        %dma_start3A_164 = tpu.memref_slice %arg2[%dma_start3A_162, %dma_start3A_163] : memref<20000x64xf32, #tpu.memory_space<hbm>> -> memref<20000x64xf32, #tpu.memory_space<hbm>>
        tpu.enqueue_indirect_dma source(%dma_start3A_164 : memref<20000x64xf32, #tpu.memory_space<hbm>>) target(%arg7 : memref<128x64xf32, #tpu.memory_space<vmem>>) offsets(%dma_start3A_161 : memref<128xi32, #tpu.memory_space<vmem>>) semaphore(%arg12 : memref<!tpu.dma_semaphore, #tpu.memory_space<semaphore_mem>>)
      } else {
      }
      %mul3A_102 = arith.constant 4 : i32
      %mul3A_103 = arith.muli %scan3A_85, %mul3A_102 : i32
      %add3A_104 = arith.constant 1 : i32
      %add3A_105 = arith.addi %mul3A_103, %add3A_104 : i32
      %dma_wait3A_106 = arith.constant 0 : i32
      %dma_wait3A_107 = arith.constant 0 : i32
      %dma_wait3A_108 = tpu.memref_slice %arg5[%add3A_105, %dma_wait3A_106, %dma_wait3A_107] : memref<157x1x128xi32, #tpu.memory_space<vmem>> -> memref<1x1x128xi32, #tpu.memory_space<vmem>>
      %dma_wait3A_109 = tpu.memref_squeeze %dma_wait3A_108 : memref<1x1x128xi32, #tpu.memory_space<vmem>> -> memref<128xi32, #tpu.memory_space<vmem>>
      %dma_wait3A_110 = arith.constant 0 : i32
      %dma_wait3A_111 = arith.constant 0 : i32
      %dma_wait3A_112 = tpu.memref_slice %arg2[%dma_wait3A_110, %dma_wait3A_111] : memref<20000x64xf32, #tpu.memory_space<hbm>> -> memref<20000x64xf32, #tpu.memory_space<hbm>>
      tpu.wait_indirect_dma semaphore(%arg13 : memref<!tpu.dma_semaphore, #tpu.memory_space<semaphore_mem>>) src(%dma_wait3A_112 : memref<20000x64xf32, #tpu.memory_space<hbm>>) dst(%arg8 : memref<128x64xf32, #tpu.memory_space<vmem>>)
      %run_scoped3A_113 = arith.constant 0 : i32
      "tpu.region"() ({
        %run_scoped3A_156 = tpu.sem_alloc : memref<!tpu.dma_semaphore, #tpu.memory_space<semaphore_mem>>
        %dma_start3A_157 = arith.constant 0 : i32
        %dma_start3A_158 = tpu.memref_slice %arg6[%add3A_105, %run_scoped3A_113, %dma_start3A_157] : memref<157x1x128xi32, #tpu.memory_space<vmem>> -> memref<1x1x128xi32, #tpu.memory_space<vmem>>
        %dma_start3A_159 = tpu.memref_squeeze %dma_start3A_158 : memref<1x1x128xi32, #tpu.memory_space<vmem>> -> memref<128xi32, #tpu.memory_space<vmem>>
        %dma_start3A_160 = arith.constant 0 : i32
        %dma_start3A_161 = arith.constant 0 : i32
        %dma_start3A_162 = tpu.memref_slice %arg11[%dma_start3A_160, %dma_start3A_161] : memref<10240x64xf32, #tpu.memory_space<vmem_shared>> -> memref<10240x64xf32, #tpu.memory_space<vmem_shared>>
        tpu.enqueue_indirect_dma source(%arg8 : memref<128x64xf32, #tpu.memory_space<vmem>>) target(%dma_start3A_162 : memref<10240x64xf32, #tpu.memory_space<vmem_shared>>) offsets(%dma_start3A_159 : memref<128xi32, #tpu.memory_space<vmem>>) semaphore(%run_scoped3A_156 : memref<!tpu.dma_semaphore, #tpu.memory_space<semaphore_mem>>) {add = true}
        %dma_wait3A_163 = arith.constant 0 : i32
        %dma_wait3A_164 = tpu.memref_slice %arg6[%add3A_105, %run_scoped3A_113, %dma_wait3A_163] : memref<157x1x128xi32, #tpu.memory_space<vmem>> -> memref<1x1x128xi32, #tpu.memory_space<vmem>>
        %dma_wait3A_165 = tpu.memref_squeeze %dma_wait3A_164 : memref<1x1x128xi32, #tpu.memory_space<vmem>> -> memref<128xi32, #tpu.memory_space<vmem>>
        %dma_wait3A_166 = arith.constant 0 : i32
        %dma_wait3A_167 = arith.constant 0 : i32
        %dma_wait3A_168 = tpu.memref_slice %arg11[%dma_wait3A_166, %dma_wait3A_167] : memref<10240x64xf32, #tpu.memory_space<vmem_shared>> -> memref<10240x64xf32, #tpu.memory_space<vmem_shared>>
        tpu.wait_indirect_dma semaphore(%run_scoped3A_156 : memref<!tpu.dma_semaphore, #tpu.memory_space<semaphore_mem>>) src(%arg8 : memref<128x64xf32, #tpu.memory_space<vmem>>) dst(%dma_wait3A_168 : memref<10240x64xf32, #tpu.memory_space<vmem_shared>>)
        tpu.yield
      }) : () -> ()
      %add3A_114 = arith.constant 4 : i32
      %add3A_115 = arith.addi %add3A_105, %add3A_114 : i32
      %lt3A_116 = arith.cmpi slt, %add3A_115, %add3A_4 : i32
      %convert_element_type3A_117 = arith.extui %lt3A_116 : i1 to i32
      %cond3A_118 = arith.constant 0 : i32
      %cond3A_119 = arith.cmpi ne, %convert_element_type3A_117, %cond3A_118 : i32
      scf.if %cond3A_119 {
        %add3A_156 = arith.constant 4 : i32
        %add3A_157 = arith.addi %add3A_105, %add3A_156 : i32
        %dma_start3A_158 = arith.constant 0 : i32
        %dma_start3A_159 = arith.constant 0 : i32
        %dma_start3A_160 = tpu.memref_slice %arg5[%add3A_157, %dma_start3A_158, %dma_start3A_159] : memref<157x1x128xi32, #tpu.memory_space<vmem>> -> memref<1x1x128xi32, #tpu.memory_space<vmem>>
        %dma_start3A_161 = tpu.memref_squeeze %dma_start3A_160 : memref<1x1x128xi32, #tpu.memory_space<vmem>> -> memref<128xi32, #tpu.memory_space<vmem>>
        %dma_start3A_162 = arith.constant 0 : i32
        %dma_start3A_163 = arith.constant 0 : i32
        %dma_start3A_164 = tpu.memref_slice %arg2[%dma_start3A_162, %dma_start3A_163] : memref<20000x64xf32, #tpu.memory_space<hbm>> -> memref<20000x64xf32, #tpu.memory_space<hbm>>
        tpu.enqueue_indirect_dma source(%dma_start3A_164 : memref<20000x64xf32, #tpu.memory_space<hbm>>) target(%arg8 : memref<128x64xf32, #tpu.memory_space<vmem>>) offsets(%dma_start3A_161 : memref<128xi32, #tpu.memory_space<vmem>>) semaphore(%arg13 : memref<!tpu.dma_semaphore, #tpu.memory_space<semaphore_mem>>)
      } else {
      }
      %mul3A_120 = arith.constant 4 : i32
      %mul3A_121 = arith.muli %scan3A_85, %mul3A_120 : i32
      %add3A_122 = arith.constant 2 : i32
      %add3A_123 = arith.addi %mul3A_121, %add3A_122 : i32
      %dma_wait3A_124 = arith.constant 0 : i32
      %dma_wait3A_125 = arith.constant 0 : i32
      %dma_wait3A_126 = tpu.memref_slice %arg5[%add3A_123, %dma_wait3A_124, %dma_wait3A_125] : memref<157x1x128xi32, #tpu.memory_space<vmem>> -> memref<1x1x128xi32, #tpu.memory_space<vmem>>
      %dma_wait3A_127 = tpu.memref_squeeze %dma_wait3A_126 : memref<1x1x128xi32, #tpu.memory_space<vmem>> -> memref<128xi32, #tpu.memory_space<vmem>>
      %dma_wait3A_128 = arith.constant 0 : i32
      %dma_wait3A_129 = arith.constant 0 : i32
      %dma_wait3A_130 = tpu.memref_slice %arg2[%dma_wait3A_128, %dma_wait3A_129] : memref<20000x64xf32, #tpu.memory_space<hbm>> -> memref<20000x64xf32, #tpu.memory_space<hbm>>
      tpu.wait_indirect_dma semaphore(%arg14 : memref<!tpu.dma_semaphore, #tpu.memory_space<semaphore_mem>>) src(%dma_wait3A_130 : memref<20000x64xf32, #tpu.memory_space<hbm>>) dst(%arg9 : memref<128x64xf32, #tpu.memory_space<vmem>>)
      %run_scoped3A_131 = arith.constant 0 : i32
      "tpu.region"() ({
        %run_scoped3A_156 = tpu.sem_alloc : memref<!tpu.dma_semaphore, #tpu.memory_space<semaphore_mem>>
        %dma_start3A_157 = arith.constant 0 : i32
        %dma_start3A_158 = tpu.memref_slice %arg6[%add3A_123, %run_scoped3A_131, %dma_start3A_157] : memref<157x1x128xi32, #tpu.memory_space<vmem>> -> memref<1x1x128xi32, #tpu.memory_space<vmem>>
        %dma_start3A_159 = tpu.memref_squeeze %dma_start3A_158 : memref<1x1x128xi32, #tpu.memory_space<vmem>> -> memref<128xi32, #tpu.memory_space<vmem>>
        %dma_start3A_160 = arith.constant 0 : i32
        %dma_start3A_161 = arith.constant 0 : i32
        %dma_start3A_162 = tpu.memref_slice %arg11[%dma_start3A_160, %dma_start3A_161] : memref<10240x64xf32, #tpu.memory_space<vmem_shared>> -> memref<10240x64xf32, #tpu.memory_space<vmem_shared>>
        tpu.enqueue_indirect_dma source(%arg9 : memref<128x64xf32, #tpu.memory_space<vmem>>) target(%dma_start3A_162 : memref<10240x64xf32, #tpu.memory_space<vmem_shared>>) offsets(%dma_start3A_159 : memref<128xi32, #tpu.memory_space<vmem>>) semaphore(%run_scoped3A_156 : memref<!tpu.dma_semaphore, #tpu.memory_space<semaphore_mem>>) {add = true}
        %dma_wait3A_163 = arith.constant 0 : i32
        %dma_wait3A_164 = tpu.memref_slice %arg6[%add3A_123, %run_scoped3A_131, %dma_wait3A_163] : memref<157x1x128xi32, #tpu.memory_space<vmem>> -> memref<1x1x128xi32, #tpu.memory_space<vmem>>
        %dma_wait3A_165 = tpu.memref_squeeze %dma_wait3A_164 : memref<1x1x128xi32, #tpu.memory_space<vmem>> -> memref<128xi32, #tpu.memory_space<vmem>>
        %dma_wait3A_166 = arith.constant 0 : i32
        %dma_wait3A_167 = arith.constant 0 : i32
        %dma_wait3A_168 = tpu.memref_slice %arg11[%dma_wait3A_166, %dma_wait3A_167] : memref<10240x64xf32, #tpu.memory_space<vmem_shared>> -> memref<10240x64xf32, #tpu.memory_space<vmem_shared>>
        tpu.wait_indirect_dma semaphore(%run_scoped3A_156 : memref<!tpu.dma_semaphore, #tpu.memory_space<semaphore_mem>>) src(%arg9 : memref<128x64xf32, #tpu.memory_space<vmem>>) dst(%dma_wait3A_168 : memref<10240x64xf32, #tpu.memory_space<vmem_shared>>)
        tpu.yield
      }) : () -> ()
      %add3A_132 = arith.constant 4 : i32
      %add3A_133 = arith.addi %add3A_123, %add3A_132 : i32
      %lt3A_134 = arith.cmpi slt, %add3A_133, %add3A_4 : i32
      %convert_element_type3A_135 = arith.extui %lt3A_134 : i1 to i32
      %cond3A_136 = arith.constant 0 : i32
      %cond3A_137 = arith.cmpi ne, %convert_element_type3A_135, %cond3A_136 : i32
      scf.if %cond3A_137 {
        %add3A_156 = arith.constant 4 : i32
        %add3A_157 = arith.addi %add3A_123, %add3A_156 : i32
        %dma_start3A_158 = arith.constant 0 : i32
        %dma_start3A_159 = arith.constant 0 : i32
        %dma_start3A_160 = tpu.memref_slice %arg5[%add3A_157, %dma_start3A_158, %dma_start3A_159] : memref<157x1x128xi32, #tpu.memory_space<vmem>> -> memref<1x1x128xi32, #tpu.memory_space<vmem>>
        %dma_start3A_161 = tpu.memref_squeeze %dma_start3A_160 : memref<1x1x128xi32, #tpu.memory_space<vmem>> -> memref<128xi32, #tpu.memory_space<vmem>>
        %dma_start3A_162 = arith.constant 0 : i32
        %dma_start3A_163 = arith.constant 0 : i32
        %dma_start3A_164 = tpu.memref_slice %arg2[%dma_start3A_162, %dma_start3A_163] : memref<20000x64xf32, #tpu.memory_space<hbm>> -> memref<20000x64xf32, #tpu.memory_space<hbm>>
        tpu.enqueue_indirect_dma source(%dma_start3A_164 : memref<20000x64xf32, #tpu.memory_space<hbm>>) target(%arg9 : memref<128x64xf32, #tpu.memory_space<vmem>>) offsets(%dma_start3A_161 : memref<128xi32, #tpu.memory_space<vmem>>) semaphore(%arg14 : memref<!tpu.dma_semaphore, #tpu.memory_space<semaphore_mem>>)
      } else {
      }
      %mul3A_138 = arith.constant 4 : i32
      %mul3A_139 = arith.muli %scan3A_85, %mul3A_138 : i32
      %add3A_140 = arith.constant 3 : i32
      %add3A_141 = arith.addi %mul3A_139, %add3A_140 : i32
      %dma_wait3A_142 = arith.constant 0 : i32
      %dma_wait3A_143 = arith.constant 0 : i32
      %dma_wait3A_144 = tpu.memref_slice %arg5[%add3A_141, %dma_wait3A_142, %dma_wait3A_143] : memref<157x1x128xi32, #tpu.memory_space<vmem>> -> memref<1x1x128xi32, #tpu.memory_space<vmem>>
      %dma_wait3A_145 = tpu.memref_squeeze %dma_wait3A_144 : memref<1x1x128xi32, #tpu.memory_space<vmem>> -> memref<128xi32, #tpu.memory_space<vmem>>
      %dma_wait3A_146 = arith.constant 0 : i32
      %dma_wait3A_147 = arith.constant 0 : i32
      %dma_wait3A_148 = tpu.memref_slice %arg2[%dma_wait3A_146, %dma_wait3A_147] : memref<20000x64xf32, #tpu.memory_space<hbm>> -> memref<20000x64xf32, #tpu.memory_space<hbm>>
      tpu.wait_indirect_dma semaphore(%arg15 : memref<!tpu.dma_semaphore, #tpu.memory_space<semaphore_mem>>) src(%dma_wait3A_148 : memref<20000x64xf32, #tpu.memory_space<hbm>>) dst(%arg10 : memref<128x64xf32, #tpu.memory_space<vmem>>)
      %run_scoped3A_149 = arith.constant 0 : i32
      "tpu.region"() ({
        %run_scoped3A_156 = tpu.sem_alloc : memref<!tpu.dma_semaphore, #tpu.memory_space<semaphore_mem>>
        %dma_start3A_157 = arith.constant 0 : i32
        %dma_start3A_158 = tpu.memref_slice %arg6[%add3A_141, %run_scoped3A_149, %dma_start3A_157] : memref<157x1x128xi32, #tpu.memory_space<vmem>> -> memref<1x1x128xi32, #tpu.memory_space<vmem>>
        %dma_start3A_159 = tpu.memref_squeeze %dma_start3A_158 : memref<1x1x128xi32, #tpu.memory_space<vmem>> -> memref<128xi32, #tpu.memory_space<vmem>>
        %dma_start3A_160 = arith.constant 0 : i32
        %dma_start3A_161 = arith.constant 0 : i32
        %dma_start3A_162 = tpu.memref_slice %arg11[%dma_start3A_160, %dma_start3A_161] : memref<10240x64xf32, #tpu.memory_space<vmem_shared>> -> memref<10240x64xf32, #tpu.memory_space<vmem_shared>>
        tpu.enqueue_indirect_dma source(%arg10 : memref<128x64xf32, #tpu.memory_space<vmem>>) target(%dma_start3A_162 : memref<10240x64xf32, #tpu.memory_space<vmem_shared>>) offsets(%dma_start3A_159 : memref<128xi32, #tpu.memory_space<vmem>>) semaphore(%run_scoped3A_156 : memref<!tpu.dma_semaphore, #tpu.memory_space<semaphore_mem>>) {add = true}
        %dma_wait3A_163 = arith.constant 0 : i32
        %dma_wait3A_164 = tpu.memref_slice %arg6[%add3A_141, %run_scoped3A_149, %dma_wait3A_163] : memref<157x1x128xi32, #tpu.memory_space<vmem>> -> memref<1x1x128xi32, #tpu.memory_space<vmem>>
        %dma_wait3A_165 = tpu.memref_squeeze %dma_wait3A_164 : memref<1x1x128xi32, #tpu.memory_space<vmem>> -> memref<128xi32, #tpu.memory_space<vmem>>
        %dma_wait3A_166 = arith.constant 0 : i32
        %dma_wait3A_167 = arith.constant 0 : i32
        %dma_wait3A_168 = tpu.memref_slice %arg11[%dma_wait3A_166, %dma_wait3A_167] : memref<10240x64xf32, #tpu.memory_space<vmem_shared>> -> memref<10240x64xf32, #tpu.memory_space<vmem_shared>>
        tpu.wait_indirect_dma semaphore(%run_scoped3A_156 : memref<!tpu.dma_semaphore, #tpu.memory_space<semaphore_mem>>) src(%arg10 : memref<128x64xf32, #tpu.memory_space<vmem>>) dst(%dma_wait3A_168 : memref<10240x64xf32, #tpu.memory_space<vmem_shared>>)
        tpu.yield
      }) : () -> ()
      %add3A_150 = arith.constant 4 : i32
      %add3A_151 = arith.addi %add3A_141, %add3A_150 : i32
      %lt3A_152 = arith.cmpi slt, %add3A_151, %add3A_4 : i32
      %convert_element_type3A_153 = arith.extui %lt3A_152 : i1 to i32
      %cond3A_154 = arith.constant 0 : i32
      %cond3A_155 = arith.cmpi ne, %convert_element_type3A_153, %cond3A_154 : i32
      scf.if %cond3A_155 {
        %add3A_156 = arith.constant 4 : i32
        %add3A_157 = arith.addi %add3A_141, %add3A_156 : i32
        %dma_start3A_158 = arith.constant 0 : i32
        %dma_start3A_159 = arith.constant 0 : i32
        %dma_start3A_160 = tpu.memref_slice %arg5[%add3A_157, %dma_start3A_158, %dma_start3A_159] : memref<157x1x128xi32, #tpu.memory_space<vmem>> -> memref<1x1x128xi32, #tpu.memory_space<vmem>>
        %dma_start3A_161 = tpu.memref_squeeze %dma_start3A_160 : memref<1x1x128xi32, #tpu.memory_space<vmem>> -> memref<128xi32, #tpu.memory_space<vmem>>
        %dma_start3A_162 = arith.constant 0 : i32
        %dma_start3A_163 = arith.constant 0 : i32
        %dma_start3A_164 = tpu.memref_slice %arg2[%dma_start3A_162, %dma_start3A_163] : memref<20000x64xf32, #tpu.memory_space<hbm>> -> memref<20000x64xf32, #tpu.memory_space<hbm>>
        tpu.enqueue_indirect_dma source(%dma_start3A_164 : memref<20000x64xf32, #tpu.memory_space<hbm>>) target(%arg10 : memref<128x64xf32, #tpu.memory_space<vmem>>) offsets(%dma_start3A_161 : memref<128xi32, #tpu.memory_space<vmem>>) semaphore(%arg15 : memref<!tpu.dma_semaphore, #tpu.memory_space<semaphore_mem>>)
      } else {
      }
    }
    %scan3A_72 = arith.constant 39 : i32
    %lt3A_73 = arith.constant 4 : i32
    %lt3A_74 = arith.cmpi slt, %arg1, %lt3A_73 : i32
    %convert_element_type3A_75 = arith.extui %lt3A_74 : i1 to i32
    %cond3A_76 = arith.constant 0 : i32
    %cond3A_77 = arith.cmpi ne, %convert_element_type3A_75, %cond3A_76 : i32
    scf.if %cond3A_77 {
      %dma_wait3A = arith.constant 156 : i32
      %dma_wait3A_85 = arith.constant 0 : i32
      %dma_wait3A_86 = arith.constant 0 : i32
      %dma_wait3A_87 = tpu.memref_slice %arg5[%dma_wait3A, %dma_wait3A_85, %dma_wait3A_86] : memref<157x1x128xi32, #tpu.memory_space<vmem>> -> memref<1x1x128xi32, #tpu.memory_space<vmem>>
      %dma_wait3A_88 = tpu.memref_squeeze %dma_wait3A_87 : memref<1x1x128xi32, #tpu.memory_space<vmem>> -> memref<128xi32, #tpu.memory_space<vmem>>
      %dma_wait3A_89 = arith.constant 0 : i32
      %dma_wait3A_90 = arith.constant 0 : i32
      %dma_wait3A_91 = tpu.memref_slice %arg2[%dma_wait3A_89, %dma_wait3A_90] : memref<20000x64xf32, #tpu.memory_space<hbm>> -> memref<20000x64xf32, #tpu.memory_space<hbm>>
      tpu.wait_indirect_dma semaphore(%arg12 : memref<!tpu.dma_semaphore, #tpu.memory_space<semaphore_mem>>) src(%dma_wait3A_91 : memref<20000x64xf32, #tpu.memory_space<hbm>>) dst(%arg7 : memref<128x64xf32, #tpu.memory_space<vmem>>)
      %run_scoped3A = arith.constant 156 : i32
      %run_scoped3A_92 = arith.constant 0 : i32
      "tpu.region"() ({
        %run_scoped3A_93 = tpu.sem_alloc : memref<!tpu.dma_semaphore, #tpu.memory_space<semaphore_mem>>
        %dma_start3A_94 = arith.constant 0 : i32
        %dma_start3A_95 = tpu.memref_slice %arg6[%run_scoped3A, %run_scoped3A_92, %dma_start3A_94] : memref<157x1x128xi32, #tpu.memory_space<vmem>> -> memref<1x1x128xi32, #tpu.memory_space<vmem>>
        %dma_start3A_96 = tpu.memref_squeeze %dma_start3A_95 : memref<1x1x128xi32, #tpu.memory_space<vmem>> -> memref<128xi32, #tpu.memory_space<vmem>>
        %dma_start3A_97 = arith.constant 0 : i32
        %dma_start3A_98 = arith.constant 0 : i32
        %dma_start3A_99 = tpu.memref_slice %arg11[%dma_start3A_97, %dma_start3A_98] : memref<10240x64xf32, #tpu.memory_space<vmem_shared>> -> memref<10240x64xf32, #tpu.memory_space<vmem_shared>>
        tpu.enqueue_indirect_dma source(%arg7 : memref<128x64xf32, #tpu.memory_space<vmem>>) target(%dma_start3A_99 : memref<10240x64xf32, #tpu.memory_space<vmem_shared>>) offsets(%dma_start3A_96 : memref<128xi32, #tpu.memory_space<vmem>>) semaphore(%run_scoped3A_93 : memref<!tpu.dma_semaphore, #tpu.memory_space<semaphore_mem>>) {add = true}
        %dma_wait3A_100 = arith.constant 0 : i32
        %dma_wait3A_101 = tpu.memref_slice %arg6[%run_scoped3A, %run_scoped3A_92, %dma_wait3A_100] : memref<157x1x128xi32, #tpu.memory_space<vmem>> -> memref<1x1x128xi32, #tpu.memory_space<vmem>>
        %dma_wait3A_102 = tpu.memref_squeeze %dma_wait3A_101 : memref<1x1x128xi32, #tpu.memory_space<vmem>> -> memref<128xi32, #tpu.memory_space<vmem>>
        %dma_wait3A_103 = arith.constant 0 : i32
        %dma_wait3A_104 = arith.constant 0 : i32
        %dma_wait3A_105 = tpu.memref_slice %arg11[%dma_wait3A_103, %dma_wait3A_104] : memref<10240x64xf32, #tpu.memory_space<vmem_shared>> -> memref<10240x64xf32, #tpu.memory_space<vmem_shared>>
        tpu.wait_indirect_dma semaphore(%run_scoped3A_93 : memref<!tpu.dma_semaphore, #tpu.memory_space<semaphore_mem>>) src(%arg7 : memref<128x64xf32, #tpu.memory_space<vmem>>) dst(%dma_wait3A_105 : memref<10240x64xf32, #tpu.memory_space<vmem_shared>>)
        tpu.yield
      }) : () -> ()
    } else {
    }
    %barrier3A_78 = arith.constant 0 : index
    tpu.barrier barrier_id(%barrier3A_78)
    %mul3A_79 = arith.constant 640 : i32
    %mul3A_80 = arith.muli %arg1, %mul3A_79 : i32
    %mul3A_81 = arith.constant 640 : i32
    %mul3A_82 = arith.muli %arg1, %mul3A_81 : i32
    %mul3A_83 = arith.constant 64 : i32
    %mul3A_84 = arith.muli %arg0, %mul3A_83 : i32
    "tpu.region"() ({
      %run_scoped3A = tpu.sem_alloc : memref<!tpu.dma_semaphore, #tpu.memory_space<semaphore_mem>>
      %dma_start3A_85 = tpu.memref_slice %arg4[%mul3A_82, %mul3A_84] : memref<10240x128xf32, #tpu.memory_space<hbm>> -> memref<640x64xf32, #tpu.memory_space<hbm>>
      %dma_start3A_86 = arith.constant 0 : i32
      %dma_start3A_87 = tpu.memref_slice %arg11[%mul3A_80, %dma_start3A_86] : memref<10240x64xf32, #tpu.memory_space<vmem_shared>> -> memref<640x64xf32, #tpu.memory_space<vmem_shared>>
      tpu.enqueue_dma source(%dma_start3A_87 : memref<640x64xf32, #tpu.memory_space<vmem_shared>>) target(%dma_start3A_85 : memref<640x64xf32, #tpu.memory_space<hbm>>) target_semaphore(%run_scoped3A : memref<!tpu.dma_semaphore, #tpu.memory_space<semaphore_mem>>)
      %dma_wait3A = tpu.memref_slice %arg4[%mul3A_82, %mul3A_84] : memref<10240x128xf32, #tpu.memory_space<hbm>> -> memref<640x64xf32, #tpu.memory_space<hbm>>
      %dma_wait3A_88 = arith.constant 0 : i32
      %dma_wait3A_89 = tpu.memref_slice %arg11[%mul3A_80, %dma_wait3A_88] : memref<10240x64xf32, #tpu.memory_space<vmem_shared>> -> memref<640x64xf32, #tpu.memory_space<vmem_shared>>
      tpu.wait_dma2 semaphore(%run_scoped3A : memref<!tpu.dma_semaphore, #tpu.memory_space<semaphore_mem>>) src(%dma_wait3A_89 : memref<640x64xf32, #tpu.memory_space<vmem_shared>>) dst(%dma_wait3A : memref<640x64xf32, #tpu.memory_space<hbm>>)
      tpu.yield
    }) : () -> ()
    return
  }
}

#map = affine_map<(d0, d1) -> (0, 0, 0)>
#map1 = affine_map<(d0, d1) -> (0)>
module attributes {stable_mosaic.version = 14 : i64} {
  func.func @_deg_body(%arg0: i32, %arg1: i32, %arg2: memref<2500x2x128xi32, #tpu.memory_space<hbm>>, %arg3: memref<10240xf32, #tpu.memory_space<hbm>>, %arg4: memref<10240xf32, #tpu.memory_space<hbm>>, %arg5: memref<157x1x128xi32, #tpu.memory_space<vmem>>, %arg6: memref<128xf32, #tpu.memory_space<vmem>>, %arg7: memref<640xf32, #tpu.memory_space<vmem>>, %arg8: memref<10240xf32, #tpu.memory_space<vmem_shared>>, %arg9: memref<!tpu.dma_semaphore, #tpu.memory_space<semaphore_mem>>, %arg10: memref<!tpu.dma_semaphore, #tpu.memory_space<semaphore_mem>>) attributes {dimension_semantics = [#tpu.dimension_semantics<core_parallel>, #tpu.dimension_semantics<subcore_parallel>], iteration_bounds = array<i64: 2, 16>, scalar_prefetch = 0 : i64, scratch_operands = 6 : i64, tpu.core_type = #tpu.core_type<sc_vector_subcore>, window_params = [{transform_indices = #map}, {transform_indices = #map1}, {transform_indices = #map1}]} {
    %mul3A = arith.constant 156 : i32
    %mul3A_0 = arith.muli %mul3A, %arg1 : i32
    %min3A = arith.constant 4 : i32
    %min3A_1 = arith.minsi %arg1, %min3A : i32
    %add3A = arith.addi %mul3A_0, %min3A_1 : i32
    %lt3A = arith.constant 4 : i32
    %lt3A_2 = arith.cmpi slt, %arg1, %lt3A : i32
    %convert_element_type3A = arith.extui %lt3A_2 : i1 to i32
    %add3A_3 = arith.constant 156 : i32
    %add3A_4 = arith.addi %add3A_3, %convert_element_type3A : i32
    %scan3A = arith.constant 0 : i32
    %scan3A_5 = arith.constant 0 : i32
    %scan3A_6 = arith.constant 40 : i32
    %scan3A_7 = arith.addi %scan3A_5, %scan3A_6 : i32
    %scan3A_8 = arith.constant 1 : i32
    scf.for %scan3A_128 = %scan3A_5 to %scan3A_7 step %scan3A_8  : i32 {
      %broadcast_in_dim3A = arith.constant 0.000000e+00 : f32
      %broadcast_in_dim3A_129 = vector.broadcast %broadcast_in_dim3A : f32 to vector<16xf32>
      %mul3A_130 = arith.constant 16 : i32
      %mul3A_131 = arith.muli %scan3A_128, %mul3A_130 : i32
      %swap3A = arith.index_cast %mul3A_131 : i32 to index
      %swap3A_132 = tpu.vector_load %arg7[%swap3A] {strides = array<i32>} : memref<640xf32, #tpu.memory_space<vmem>>, vector<16xf32>,
      %swap3A_133 = vector.shape_cast %swap3A_132 : vector<16xf32> to vector<16xf32>
      %swap3A_134 = vector.shape_cast %broadcast_in_dim3A_129 : vector<16xf32> to vector<16xf32>
      tpu.vector_store %arg7[%swap3A], %swap3A_134 {strides = array<i32>} : memref<640xf32, #tpu.memory_space<vmem>>, vector<16xf32>,
    }
    %scan3A_9 = arith.constant 40 : i32
    %mul3A_10 = arith.constant 640 : i32
    %mul3A_11 = arith.muli %arg1, %mul3A_10 : i32
    "tpu.region"() ({
      %run_scoped3A = tpu.sem_alloc : memref<!tpu.dma_semaphore, #tpu.memory_space<semaphore_mem>>
      %dma_start3A = tpu.memref_slice %arg8[%mul3A_11] : memref<10240xf32, #tpu.memory_space<vmem_shared>> -> memref<640xf32, #tpu.memory_space<vmem_shared>>
      %dma_start3A_128 = tpu.memref_slice %arg8[%mul3A_11] : memref<10240xf32, #tpu.memory_space<vmem_shared>> -> memref<640xf32, #tpu.memory_space<vmem_shared>>
      tpu.enqueue_dma source(%arg7 : memref<640xf32, #tpu.memory_space<vmem>>) target(%dma_start3A_128 : memref<640xf32, #tpu.memory_space<vmem_shared>>) target_semaphore(%run_scoped3A : memref<!tpu.dma_semaphore, #tpu.memory_space<semaphore_mem>>)
      %dma_wait3A_129 = tpu.memref_slice %arg8[%mul3A_11] : memref<10240xf32, #tpu.memory_space<vmem_shared>> -> memref<640xf32, #tpu.memory_space<vmem_shared>>
      %dma_wait3A_130 = tpu.memref_slice %arg8[%mul3A_11] : memref<10240xf32, #tpu.memory_space<vmem_shared>> -> memref<640xf32, #tpu.memory_space<vmem_shared>>
      tpu.wait_dma2 semaphore(%run_scoped3A : memref<!tpu.dma_semaphore, #tpu.memory_space<semaphore_mem>>) src(%arg7 : memref<640xf32, #tpu.memory_space<vmem>>) dst(%dma_wait3A_130 : memref<640xf32, #tpu.memory_space<vmem_shared>>)
      tpu.yield
    }) : () -> ()
    %scan3A_12 = arith.constant 0 : i32
    %scan3A_13 = arith.constant 0 : i32
    %scan3A_14 = arith.constant 8 : i32
    %scan3A_15 = arith.addi %scan3A_13, %scan3A_14 : i32
    %scan3A_16 = arith.constant 1 : i32
    scf.for %scan3A_128 = %scan3A_13 to %scan3A_15 step %scan3A_16  : i32 {
      %broadcast_in_dim3A = arith.constant 1.000000e+00 : f32
      %broadcast_in_dim3A_129 = vector.broadcast %broadcast_in_dim3A : f32 to vector<16xf32>
      %mul3A_130 = arith.constant 16 : i32
      %mul3A_131 = arith.muli %scan3A_128, %mul3A_130 : i32
      %swap3A = arith.index_cast %mul3A_131 : i32 to index
      %swap3A_132 = tpu.vector_load %arg6[%swap3A] {strides = array<i32>} : memref<128xf32, #tpu.memory_space<vmem>>, vector<16xf32>,
      %swap3A_133 = vector.shape_cast %swap3A_132 : vector<16xf32> to vector<16xf32>
      %swap3A_134 = vector.shape_cast %broadcast_in_dim3A_129 : vector<16xf32> to vector<16xf32>
      tpu.vector_store %arg6[%swap3A], %swap3A_134 {strides = array<i32>} : memref<128xf32, #tpu.memory_space<vmem>>, vector<16xf32>,
    }
    %scan3A_17 = arith.constant 8 : i32
    %barrier3A = arith.constant 0 : index
    tpu.barrier barrier_id(%barrier3A)
    %lt3A_18 = arith.constant 4 : i32
    %lt3A_19 = arith.cmpi slt, %arg1, %lt3A_18 : i32
    %convert_element_type3A_20 = arith.extui %lt3A_19 : i1 to i32
    %cond3A = arith.constant 0 : i32
    %cond3A_21 = arith.cmpi ne, %convert_element_type3A_20, %cond3A : i32
    scf.if %cond3A_21 {
      "tpu.region"() ({
        %run_scoped3A = tpu.sem_alloc : memref<!tpu.dma_semaphore, #tpu.memory_space<semaphore_mem>>
        %dma_start3A = arith.constant 1 : i32
        %dma_start3A_128 = arith.constant 0 : i32
        %dma_start3A_129 = tpu.memref_slice %arg2[%add3A, %dma_start3A, %dma_start3A_128] : memref<2500x2x128xi32, #tpu.memory_space<hbm>> -> memref<157x1x128xi32, #tpu.memory_space<hbm>>
        %dma_start3A_130 = arith.constant 1 : i32
        %dma_start3A_131 = arith.constant 0 : i32
        %dma_start3A_132 = tpu.memref_slice %arg2[%add3A, %dma_start3A_130, %dma_start3A_131] : memref<2500x2x128xi32, #tpu.memory_space<hbm>> -> memref<157x1x128xi32, #tpu.memory_space<hbm>>
        tpu.enqueue_dma source(%dma_start3A_132 : memref<157x1x128xi32, #tpu.memory_space<hbm>>) target(%arg5 : memref<157x1x128xi32, #tpu.memory_space<vmem>>) target_semaphore(%run_scoped3A : memref<!tpu.dma_semaphore, #tpu.memory_space<semaphore_mem>>)
        %dma_wait3A_133 = arith.constant 1 : i32
        %dma_wait3A_134 = arith.constant 0 : i32
        %dma_wait3A_135 = tpu.memref_slice %arg2[%add3A, %dma_wait3A_133, %dma_wait3A_134] : memref<2500x2x128xi32, #tpu.memory_space<hbm>> -> memref<157x1x128xi32, #tpu.memory_space<hbm>>
        %dma_wait3A_136 = arith.constant 1 : i32
        %dma_wait3A_137 = arith.constant 0 : i32
        %dma_wait3A_138 = tpu.memref_slice %arg2[%add3A, %dma_wait3A_136, %dma_wait3A_137] : memref<2500x2x128xi32, #tpu.memory_space<hbm>> -> memref<157x1x128xi32, #tpu.memory_space<hbm>>
        tpu.wait_dma2 semaphore(%run_scoped3A : memref<!tpu.dma_semaphore, #tpu.memory_space<semaphore_mem>>) src(%dma_wait3A_138 : memref<157x1x128xi32, #tpu.memory_space<hbm>>) dst(%arg5 : memref<157x1x128xi32, #tpu.memory_space<vmem>>)
        tpu.yield
      }) : () -> ()
    } else {
    }
    %ge3A = arith.constant 4 : i32
    %ge3A_22 = arith.cmpi sge, %arg1, %ge3A : i32
    %convert_element_type3A_23 = arith.extui %ge3A_22 : i1 to i32
    %cond3A_24 = arith.constant 0 : i32
    %cond3A_25 = arith.cmpi ne, %convert_element_type3A_23, %cond3A_24 : i32
    scf.if %cond3A_25 {
      "tpu.region"() ({
        %run_scoped3A = tpu.sem_alloc : memref<!tpu.dma_semaphore, #tpu.memory_space<semaphore_mem>>
        %dma_start3A = arith.constant 0 : i32
        %dma_start3A_128 = arith.constant 0 : i32
        %dma_start3A_129 = arith.constant 0 : i32
        %dma_start3A_130 = tpu.memref_slice %arg5[%dma_start3A, %dma_start3A_128, %dma_start3A_129] : memref<157x1x128xi32, #tpu.memory_space<vmem>> -> memref<156x1x128xi32, #tpu.memory_space<vmem>>
        %dma_start3A_131 = arith.constant 1 : i32
        %dma_start3A_132 = arith.constant 0 : i32
        %dma_start3A_133 = tpu.memref_slice %arg2[%add3A, %dma_start3A_131, %dma_start3A_132] : memref<2500x2x128xi32, #tpu.memory_space<hbm>> -> memref<156x1x128xi32, #tpu.memory_space<hbm>>
        %dma_start3A_134 = arith.constant 0 : i32
        %dma_start3A_135 = arith.constant 0 : i32
        %dma_start3A_136 = arith.constant 0 : i32
        %dma_start3A_137 = tpu.memref_slice %arg5[%dma_start3A_134, %dma_start3A_135, %dma_start3A_136] : memref<157x1x128xi32, #tpu.memory_space<vmem>> -> memref<156x1x128xi32, #tpu.memory_space<vmem>>
        %dma_start3A_138 = arith.constant 1 : i32
        %dma_start3A_139 = arith.constant 0 : i32
        %dma_start3A_140 = tpu.memref_slice %arg2[%add3A, %dma_start3A_138, %dma_start3A_139] : memref<2500x2x128xi32, #tpu.memory_space<hbm>> -> memref<156x1x128xi32, #tpu.memory_space<hbm>>
        tpu.enqueue_dma source(%dma_start3A_140 : memref<156x1x128xi32, #tpu.memory_space<hbm>>) target(%dma_start3A_137 : memref<156x1x128xi32, #tpu.memory_space<vmem>>) target_semaphore(%run_scoped3A : memref<!tpu.dma_semaphore, #tpu.memory_space<semaphore_mem>>)
        %dma_wait3A_141 = arith.constant 0 : i32
        %dma_wait3A_142 = arith.constant 0 : i32
        %dma_wait3A_143 = arith.constant 0 : i32
        %dma_wait3A_144 = tpu.memref_slice %arg5[%dma_wait3A_141, %dma_wait3A_142, %dma_wait3A_143] : memref<157x1x128xi32, #tpu.memory_space<vmem>> -> memref<156x1x128xi32, #tpu.memory_space<vmem>>
        %dma_wait3A_145 = arith.constant 1 : i32
        %dma_wait3A_146 = arith.constant 0 : i32
        %dma_wait3A_147 = tpu.memref_slice %arg2[%add3A, %dma_wait3A_145, %dma_wait3A_146] : memref<2500x2x128xi32, #tpu.memory_space<hbm>> -> memref<156x1x128xi32, #tpu.memory_space<hbm>>
        %dma_wait3A_148 = arith.constant 0 : i32
        %dma_wait3A_149 = arith.constant 0 : i32
        %dma_wait3A_150 = arith.constant 0 : i32
        %dma_wait3A_151 = tpu.memref_slice %arg5[%dma_wait3A_148, %dma_wait3A_149, %dma_wait3A_150] : memref<157x1x128xi32, #tpu.memory_space<vmem>> -> memref<156x1x128xi32, #tpu.memory_space<vmem>>
        %dma_wait3A_152 = arith.constant 1 : i32
        %dma_wait3A_153 = arith.constant 0 : i32
        %dma_wait3A_154 = tpu.memref_slice %arg2[%add3A, %dma_wait3A_152, %dma_wait3A_153] : memref<2500x2x128xi32, #tpu.memory_space<hbm>> -> memref<156x1x128xi32, #tpu.memory_space<hbm>>
        tpu.wait_dma2 semaphore(%run_scoped3A : memref<!tpu.dma_semaphore, #tpu.memory_space<semaphore_mem>>) src(%dma_wait3A_154 : memref<156x1x128xi32, #tpu.memory_space<hbm>>) dst(%dma_wait3A_151 : memref<156x1x128xi32, #tpu.memory_space<vmem>>)
        tpu.yield
      }) : () -> ()
    } else {
    }
    %add3A_26 = arith.constant 1 : i32
    %add3A_27 = arith.addi %add3A_4, %add3A_26 : i32
    %jit3A = arith.constant 2 : i32
    %div3A = arith.divsi %add3A_27, %jit3A : i32
    %sign3A = arith.constant 0 : i32
    %sign3A_28 = arith.cmpi sgt, %add3A_27, %sign3A : i32
    %sign3A_29 = arith.extui %sign3A_28 : i1 to i32
    %sign3A_30 = arith.constant 0 : i32
    %sign3A_31 = arith.cmpi slt, %add3A_27, %sign3A_30 : i32
    %sign3A_32 = arith.extui %sign3A_31 : i1 to i32
    %sign3A_33 = arith.subi %sign3A_29, %sign3A_32 : i32
    %sign3A_34 = arith.constant 0 : i32
    %sign3A_35 = arith.cmpi sgt, %jit3A, %sign3A_34 : i32
    %sign3A_36 = arith.extui %sign3A_35 : i1 to i32
    %sign3A_37 = arith.constant 0 : i32
    %sign3A_38 = arith.cmpi slt, %jit3A, %sign3A_37 : i32
    %sign3A_39 = arith.extui %sign3A_38 : i1 to i32
    %sign3A_40 = arith.subi %sign3A_36, %sign3A_39 : i32
    %ne3A = arith.cmpi ne, %sign3A_33, %sign3A_40 : i32
    %rem3A = arith.remsi %add3A_27, %jit3A : i32
    %ne3A_41 = arith.constant 0 : i32
    %ne3A_42 = arith.cmpi ne, %rem3A, %ne3A_41 : i32
    %and3A = arith.andi %ne3A, %ne3A_42 : i1
    %sub3A = arith.constant 1 : i32
    %sub3A_43 = arith.subi %div3A, %sub3A : i32
    %select_n3A = arith.select %and3A, %sub3A_43, %div3A : i32
    %mul3A_44 = arith.muli %arg0, %select_n3A : i32
    %eq3A = arith.constant 0 : i32
    %eq3A_45 = arith.cmpi eq, %arg0, %eq3A : i32
    %sub3A_46 = arith.subi %add3A_4, %select_n3A : i32
    %select_n3A_47 = arith.select %eq3A_45, %select_n3A, %sub3A_46 : i32
    %jit3A_48 = arith.constant 2 : i32
    %div3A_49 = arith.divsi %select_n3A_47, %jit3A_48 : i32
    %sign3A_50 = arith.constant 0 : i32
    %sign3A_51 = arith.cmpi sgt, %select_n3A_47, %sign3A_50 : i32
    %sign3A_52 = arith.extui %sign3A_51 : i1 to i32
    %sign3A_53 = arith.constant 0 : i32
    %sign3A_54 = arith.cmpi slt, %select_n3A_47, %sign3A_53 : i32
    %sign3A_55 = arith.extui %sign3A_54 : i1 to i32
    %sign3A_56 = arith.subi %sign3A_52, %sign3A_55 : i32
    %sign3A_57 = arith.constant 0 : i32
    %sign3A_58 = arith.cmpi sgt, %jit3A_48, %sign3A_57 : i32
    %sign3A_59 = arith.extui %sign3A_58 : i1 to i32
    %sign3A_60 = arith.constant 0 : i32
    %sign3A_61 = arith.cmpi slt, %jit3A_48, %sign3A_60 : i32
    %sign3A_62 = arith.extui %sign3A_61 : i1 to i32
    %sign3A_63 = arith.subi %sign3A_59, %sign3A_62 : i32
    %ne3A_64 = arith.cmpi ne, %sign3A_56, %sign3A_63 : i32
    %rem3A_65 = arith.remsi %select_n3A_47, %jit3A_48 : i32
    %ne3A_66 = arith.constant 0 : i32
    %ne3A_67 = arith.cmpi ne, %rem3A_65, %ne3A_66 : i32
    %and3A_68 = arith.andi %ne3A_64, %ne3A_67 : i1
    %sub3A_69 = arith.constant 1 : i32
    %sub3A_70 = arith.subi %div3A_49, %sub3A_69 : i32
    %select_n3A_71 = arith.select %and3A_68, %sub3A_70, %div3A_49 : i32
    %while3A = arith.constant 0 : i32
    %while3A_72 = arith.constant 0 : i32
    %while3A_73 = arith.subi %select_n3A_71, %while3A_72 : i32
    %while3A_74 = arith.addi %while3A_72, %while3A_73 : i32
    %while3A_75 = arith.constant 1 : i32
    %while3A_76 = arith.divsi %while3A_73, %while3A_75 : i32
    %while3A_77 = arith.muli %while3A_76, %while3A_75 : i32
    %while3A_78 = arith.addi %while3A_72, %while3A_77 : i32
    %while3A_79 = arith.constant 1 : i32
    scf.for %while3A_128 = %while3A_72 to %while3A_78 step %while3A_79  : i32 {
      %mul3A_129 = arith.constant 2 : i32
      %mul3A_130 = arith.muli %while3A_128, %mul3A_129 : i32
      %add3A_131 = arith.constant 0 : i32
      %add3A_132 = arith.addi %mul3A_130, %add3A_131 : i32
      %ge3A_133 = arith.constant 2 : i32
      %ge3A_134 = arith.cmpi sge, %add3A_132, %ge3A_133 : i32
      %convert_element_type3A_135 = arith.extui %ge3A_134 : i1 to i32
      %cond3A_136 = arith.constant 0 : i32
      %cond3A_137 = arith.cmpi ne, %convert_element_type3A_135, %cond3A_136 : i32
      scf.if %cond3A_137 {
        %dma_wait3A_160 = arith.constant 0 : i32
        %dma_wait3A_161 = arith.constant 0 : i32
        %dma_wait3A_162 = arith.constant 0 : i32
        %dma_wait3A_163 = tpu.memref_slice %arg5[%dma_wait3A_160, %dma_wait3A_161, %dma_wait3A_162] : memref<157x1x128xi32, #tpu.memory_space<vmem>> -> memref<1x1x128xi32, #tpu.memory_space<vmem>>
        %dma_wait3A_164 = tpu.memref_squeeze %dma_wait3A_163 : memref<1x1x128xi32, #tpu.memory_space<vmem>> -> memref<128xi32, #tpu.memory_space<vmem>>
        %dma_wait3A_165 = arith.constant 0 : i32
        %dma_wait3A_166 = tpu.memref_slice %arg8[%dma_wait3A_165] : memref<10240xf32, #tpu.memory_space<vmem_shared>> -> memref<10240xf32, #tpu.memory_space<vmem_shared>>
        tpu.wait_indirect_dma semaphore(%arg9 : memref<!tpu.dma_semaphore, #tpu.memory_space<semaphore_mem>>) src(%arg6 : memref<128xf32, #tpu.memory_space<vmem>>) dst(%dma_wait3A_166 : memref<10240xf32, #tpu.memory_space<vmem_shared>>)
      } else {
      }
      %add3A_138 = arith.addi %mul3A_44, %add3A_132 : i32
      %dma_start3A = arith.constant 0 : i32
      %dma_start3A_139 = arith.constant 0 : i32
      %dma_start3A_140 = tpu.memref_slice %arg5[%add3A_138, %dma_start3A, %dma_start3A_139] : memref<157x1x128xi32, #tpu.memory_space<vmem>> -> memref<1x1x128xi32, #tpu.memory_space<vmem>>
      %dma_start3A_141 = tpu.memref_squeeze %dma_start3A_140 : memref<1x1x128xi32, #tpu.memory_space<vmem>> -> memref<128xi32, #tpu.memory_space<vmem>>
      %dma_start3A_142 = arith.constant 0 : i32
      %dma_start3A_143 = tpu.memref_slice %arg8[%dma_start3A_142] : memref<10240xf32, #tpu.memory_space<vmem_shared>> -> memref<10240xf32, #tpu.memory_space<vmem_shared>>
      tpu.enqueue_indirect_dma source(%arg6 : memref<128xf32, #tpu.memory_space<vmem>>) target(%dma_start3A_143 : memref<10240xf32, #tpu.memory_space<vmem_shared>>) offsets(%dma_start3A_141 : memref<128xi32, #tpu.memory_space<vmem>>) semaphore(%arg9 : memref<!tpu.dma_semaphore, #tpu.memory_space<semaphore_mem>>) {add = true}
      %mul3A_144 = arith.constant 2 : i32
      %mul3A_145 = arith.muli %while3A_128, %mul3A_144 : i32
      %add3A_146 = arith.constant 1 : i32
      %add3A_147 = arith.addi %mul3A_145, %add3A_146 : i32
      %ge3A_148 = arith.constant 2 : i32
      %ge3A_149 = arith.cmpi sge, %add3A_147, %ge3A_148 : i32
      %convert_element_type3A_150 = arith.extui %ge3A_149 : i1 to i32
      %cond3A_151 = arith.constant 0 : i32
      %cond3A_152 = arith.cmpi ne, %convert_element_type3A_150, %cond3A_151 : i32
      scf.if %cond3A_152 {
        %dma_wait3A_160 = arith.constant 0 : i32
        %dma_wait3A_161 = arith.constant 0 : i32
        %dma_wait3A_162 = arith.constant 0 : i32
        %dma_wait3A_163 = tpu.memref_slice %arg5[%dma_wait3A_160, %dma_wait3A_161, %dma_wait3A_162] : memref<157x1x128xi32, #tpu.memory_space<vmem>> -> memref<1x1x128xi32, #tpu.memory_space<vmem>>
        %dma_wait3A_164 = tpu.memref_squeeze %dma_wait3A_163 : memref<1x1x128xi32, #tpu.memory_space<vmem>> -> memref<128xi32, #tpu.memory_space<vmem>>
        %dma_wait3A_165 = arith.constant 0 : i32
        %dma_wait3A_166 = tpu.memref_slice %arg8[%dma_wait3A_165] : memref<10240xf32, #tpu.memory_space<vmem_shared>> -> memref<10240xf32, #tpu.memory_space<vmem_shared>>
        tpu.wait_indirect_dma semaphore(%arg10 : memref<!tpu.dma_semaphore, #tpu.memory_space<semaphore_mem>>) src(%arg6 : memref<128xf32, #tpu.memory_space<vmem>>) dst(%dma_wait3A_166 : memref<10240xf32, #tpu.memory_space<vmem_shared>>)
      } else {
      }
      %add3A_153 = arith.addi %mul3A_44, %add3A_147 : i32
      %dma_start3A_154 = arith.constant 0 : i32
      %dma_start3A_155 = arith.constant 0 : i32
      %dma_start3A_156 = tpu.memref_slice %arg5[%add3A_153, %dma_start3A_154, %dma_start3A_155] : memref<157x1x128xi32, #tpu.memory_space<vmem>> -> memref<1x1x128xi32, #tpu.memory_space<vmem>>
      %dma_start3A_157 = tpu.memref_squeeze %dma_start3A_156 : memref<1x1x128xi32, #tpu.memory_space<vmem>> -> memref<128xi32, #tpu.memory_space<vmem>>
      %dma_start3A_158 = arith.constant 0 : i32
      %dma_start3A_159 = tpu.memref_slice %arg8[%dma_start3A_158] : memref<10240xf32, #tpu.memory_space<vmem_shared>> -> memref<10240xf32, #tpu.memory_space<vmem_shared>>
      tpu.enqueue_indirect_dma source(%arg6 : memref<128xf32, #tpu.memory_space<vmem>>) target(%dma_start3A_159 : memref<10240xf32, #tpu.memory_space<vmem_shared>>) offsets(%dma_start3A_157 : memref<128xi32, #tpu.memory_space<vmem>>) semaphore(%arg10 : memref<!tpu.dma_semaphore, #tpu.memory_space<semaphore_mem>>) {add = true}
    }
    %while3A_80 = arith.constant 1 : i32
    scf.for %while3A_128 = %while3A_78 to %while3A_74 step %while3A_80  : i32 {
      %mul3A_129 = arith.constant 2 : i32
      %mul3A_130 = arith.muli %while3A_128, %mul3A_129 : i32
      %add3A_131 = arith.constant 0 : i32
      %add3A_132 = arith.addi %mul3A_130, %add3A_131 : i32
      %ge3A_133 = arith.constant 2 : i32
      %ge3A_134 = arith.cmpi sge, %add3A_132, %ge3A_133 : i32
      %convert_element_type3A_135 = arith.extui %ge3A_134 : i1 to i32
      %cond3A_136 = arith.constant 0 : i32
      %cond3A_137 = arith.cmpi ne, %convert_element_type3A_135, %cond3A_136 : i32
      scf.if %cond3A_137 {
        %dma_wait3A_160 = arith.constant 0 : i32
        %dma_wait3A_161 = arith.constant 0 : i32
        %dma_wait3A_162 = arith.constant 0 : i32
        %dma_wait3A_163 = tpu.memref_slice %arg5[%dma_wait3A_160, %dma_wait3A_161, %dma_wait3A_162] : memref<157x1x128xi32, #tpu.memory_space<vmem>> -> memref<1x1x128xi32, #tpu.memory_space<vmem>>
        %dma_wait3A_164 = tpu.memref_squeeze %dma_wait3A_163 : memref<1x1x128xi32, #tpu.memory_space<vmem>> -> memref<128xi32, #tpu.memory_space<vmem>>
        %dma_wait3A_165 = arith.constant 0 : i32
        %dma_wait3A_166 = tpu.memref_slice %arg8[%dma_wait3A_165] : memref<10240xf32, #tpu.memory_space<vmem_shared>> -> memref<10240xf32, #tpu.memory_space<vmem_shared>>
        tpu.wait_indirect_dma semaphore(%arg9 : memref<!tpu.dma_semaphore, #tpu.memory_space<semaphore_mem>>) src(%arg6 : memref<128xf32, #tpu.memory_space<vmem>>) dst(%dma_wait3A_166 : memref<10240xf32, #tpu.memory_space<vmem_shared>>)
      } else {
      }
      %add3A_138 = arith.addi %mul3A_44, %add3A_132 : i32
      %dma_start3A = arith.constant 0 : i32
      %dma_start3A_139 = arith.constant 0 : i32
      %dma_start3A_140 = tpu.memref_slice %arg5[%add3A_138, %dma_start3A, %dma_start3A_139] : memref<157x1x128xi32, #tpu.memory_space<vmem>> -> memref<1x1x128xi32, #tpu.memory_space<vmem>>
      %dma_start3A_141 = tpu.memref_squeeze %dma_start3A_140 : memref<1x1x128xi32, #tpu.memory_space<vmem>> -> memref<128xi32, #tpu.memory_space<vmem>>
      %dma_start3A_142 = arith.constant 0 : i32
      %dma_start3A_143 = tpu.memref_slice %arg8[%dma_start3A_142] : memref<10240xf32, #tpu.memory_space<vmem_shared>> -> memref<10240xf32, #tpu.memory_space<vmem_shared>>
      tpu.enqueue_indirect_dma source(%arg6 : memref<128xf32, #tpu.memory_space<vmem>>) target(%dma_start3A_143 : memref<10240xf32, #tpu.memory_space<vmem_shared>>) offsets(%dma_start3A_141 : memref<128xi32, #tpu.memory_space<vmem>>) semaphore(%arg9 : memref<!tpu.dma_semaphore, #tpu.memory_space<semaphore_mem>>) {add = true}
      %mul3A_144 = arith.constant 2 : i32
      %mul3A_145 = arith.muli %while3A_128, %mul3A_144 : i32
      %add3A_146 = arith.constant 1 : i32
      %add3A_147 = arith.addi %mul3A_145, %add3A_146 : i32
      %ge3A_148 = arith.constant 2 : i32
      %ge3A_149 = arith.cmpi sge, %add3A_147, %ge3A_148 : i32
      %convert_element_type3A_150 = arith.extui %ge3A_149 : i1 to i32
      %cond3A_151 = arith.constant 0 : i32
      %cond3A_152 = arith.cmpi ne, %convert_element_type3A_150, %cond3A_151 : i32
      scf.if %cond3A_152 {
        %dma_wait3A_160 = arith.constant 0 : i32
        %dma_wait3A_161 = arith.constant 0 : i32
        %dma_wait3A_162 = arith.constant 0 : i32
        %dma_wait3A_163 = tpu.memref_slice %arg5[%dma_wait3A_160, %dma_wait3A_161, %dma_wait3A_162] : memref<157x1x128xi32, #tpu.memory_space<vmem>> -> memref<1x1x128xi32, #tpu.memory_space<vmem>>
        %dma_wait3A_164 = tpu.memref_squeeze %dma_wait3A_163 : memref<1x1x128xi32, #tpu.memory_space<vmem>> -> memref<128xi32, #tpu.memory_space<vmem>>
        %dma_wait3A_165 = arith.constant 0 : i32
        %dma_wait3A_166 = tpu.memref_slice %arg8[%dma_wait3A_165] : memref<10240xf32, #tpu.memory_space<vmem_shared>> -> memref<10240xf32, #tpu.memory_space<vmem_shared>>
        tpu.wait_indirect_dma semaphore(%arg10 : memref<!tpu.dma_semaphore, #tpu.memory_space<semaphore_mem>>) src(%arg6 : memref<128xf32, #tpu.memory_space<vmem>>) dst(%dma_wait3A_166 : memref<10240xf32, #tpu.memory_space<vmem_shared>>)
      } else {
      }
      %add3A_153 = arith.addi %mul3A_44, %add3A_147 : i32
      %dma_start3A_154 = arith.constant 0 : i32
      %dma_start3A_155 = arith.constant 0 : i32
      %dma_start3A_156 = tpu.memref_slice %arg5[%add3A_153, %dma_start3A_154, %dma_start3A_155] : memref<157x1x128xi32, #tpu.memory_space<vmem>> -> memref<1x1x128xi32, #tpu.memory_space<vmem>>
      %dma_start3A_157 = tpu.memref_squeeze %dma_start3A_156 : memref<1x1x128xi32, #tpu.memory_space<vmem>> -> memref<128xi32, #tpu.memory_space<vmem>>
      %dma_start3A_158 = arith.constant 0 : i32
      %dma_start3A_159 = tpu.memref_slice %arg8[%dma_start3A_158] : memref<10240xf32, #tpu.memory_space<vmem_shared>> -> memref<10240xf32, #tpu.memory_space<vmem_shared>>
      tpu.enqueue_indirect_dma source(%arg6 : memref<128xf32, #tpu.memory_space<vmem>>) target(%dma_start3A_159 : memref<10240xf32, #tpu.memory_space<vmem_shared>>) offsets(%dma_start3A_157 : memref<128xi32, #tpu.memory_space<vmem>>) semaphore(%arg10 : memref<!tpu.dma_semaphore, #tpu.memory_space<semaphore_mem>>) {add = true}
    }
    %dma_wait3A = arith.constant 0 : i32
    %dma_wait3A_81 = arith.constant 0 : i32
    %dma_wait3A_82 = arith.constant 0 : i32
    %dma_wait3A_83 = tpu.memref_slice %arg5[%dma_wait3A, %dma_wait3A_81, %dma_wait3A_82] : memref<157x1x128xi32, #tpu.memory_space<vmem>> -> memref<1x1x128xi32, #tpu.memory_space<vmem>>
    %dma_wait3A_84 = tpu.memref_squeeze %dma_wait3A_83 : memref<1x1x128xi32, #tpu.memory_space<vmem>> -> memref<128xi32, #tpu.memory_space<vmem>>
    %dma_wait3A_85 = arith.constant 0 : i32
    %dma_wait3A_86 = tpu.memref_slice %arg8[%dma_wait3A_85] : memref<10240xf32, #tpu.memory_space<vmem_shared>> -> memref<10240xf32, #tpu.memory_space<vmem_shared>>
    tpu.wait_indirect_dma semaphore(%arg9 : memref<!tpu.dma_semaphore, #tpu.memory_space<semaphore_mem>>) src(%arg6 : memref<128xf32, #tpu.memory_space<vmem>>) dst(%dma_wait3A_86 : memref<10240xf32, #tpu.memory_space<vmem_shared>>)
    %dma_wait3A_87 = arith.constant 0 : i32
    %dma_wait3A_88 = arith.constant 0 : i32
    %dma_wait3A_89 = arith.constant 0 : i32
    %dma_wait3A_90 = tpu.memref_slice %arg5[%dma_wait3A_87, %dma_wait3A_88, %dma_wait3A_89] : memref<157x1x128xi32, #tpu.memory_space<vmem>> -> memref<1x1x128xi32, #tpu.memory_space<vmem>>
    %dma_wait3A_91 = tpu.memref_squeeze %dma_wait3A_90 : memref<1x1x128xi32, #tpu.memory_space<vmem>> -> memref<128xi32, #tpu.memory_space<vmem>>
    %dma_wait3A_92 = arith.constant 0 : i32
    %dma_wait3A_93 = tpu.memref_slice %arg8[%dma_wait3A_92] : memref<10240xf32, #tpu.memory_space<vmem_shared>> -> memref<10240xf32, #tpu.memory_space<vmem_shared>>
    tpu.wait_indirect_dma semaphore(%arg10 : memref<!tpu.dma_semaphore, #tpu.memory_space<semaphore_mem>>) src(%arg6 : memref<128xf32, #tpu.memory_space<vmem>>) dst(%dma_wait3A_93 : memref<10240xf32, #tpu.memory_space<vmem_shared>>)
    %jit3A_94 = arith.constant 2 : i32
    %eq3A_95 = arith.constant 0 : i32
    %eq3A_96 = arith.cmpi eq, %jit3A_94, %eq3A_95 : i32
    %jit3A_97 = arith.constant 1 : i32
    %select_n3A_98 = arith.select %eq3A_96, %jit3A_97, %jit3A_94 : i32
    %rem3A_99 = arith.remsi %select_n3A_47, %select_n3A_98 : i32
    %ne3A_100 = arith.constant 0 : i32
    %ne3A_101 = arith.cmpi ne, %rem3A_99, %ne3A_100 : i32
    %lt3A_102 = arith.constant 0 : i32
    %lt3A_103 = arith.cmpi slt, %rem3A_99, %lt3A_102 : i32
    %lt3A_104 = arith.constant 0 : i32
    %lt3A_105 = arith.cmpi slt, %select_n3A_98, %lt3A_104 : i32
    %ne3A_106 = arith.xori %lt3A_103, %lt3A_105 : i1
    %and3A_107 = arith.andi %ne3A_106, %ne3A_101 : i1
    %add3A_108 = arith.addi %rem3A_99, %select_n3A_98 : i32
    %select_n3A_109 = arith.select %and3A_107, %add3A_108, %rem3A_99 : i32
    %eq3A_110 = arith.constant 1 : i32
    %eq3A_111 = arith.cmpi eq, %select_n3A_109, %eq3A_110 : i32
    %convert_element_type3A_112 = arith.extui %eq3A_111 : i1 to i32
    %cond3A_113 = arith.constant 0 : i32
    %cond3A_114 = arith.cmpi ne, %convert_element_type3A_112, %cond3A_113 : i32
    scf.if %cond3A_114 {
      %jit3A_128 = arith.constant 2 : i32
      %div3A_129 = arith.divsi %select_n3A_47, %jit3A_128 : i32
      %sign3A_130 = arith.constant 0 : i32
      %sign3A_131 = arith.cmpi sgt, %select_n3A_47, %sign3A_130 : i32
      %sign3A_132 = arith.extui %sign3A_131 : i1 to i32
      %sign3A_133 = arith.constant 0 : i32
      %sign3A_134 = arith.cmpi slt, %select_n3A_47, %sign3A_133 : i32
      %sign3A_135 = arith.extui %sign3A_134 : i1 to i32
      %sign3A_136 = arith.subi %sign3A_132, %sign3A_135 : i32
      %sign3A_137 = arith.constant 0 : i32
      %sign3A_138 = arith.cmpi sgt, %jit3A_128, %sign3A_137 : i32
      %sign3A_139 = arith.extui %sign3A_138 : i1 to i32
      %sign3A_140 = arith.constant 0 : i32
      %sign3A_141 = arith.cmpi slt, %jit3A_128, %sign3A_140 : i32
      %sign3A_142 = arith.extui %sign3A_141 : i1 to i32
      %sign3A_143 = arith.subi %sign3A_139, %sign3A_142 : i32
      %ne3A_144 = arith.cmpi ne, %sign3A_136, %sign3A_143 : i32
      %rem3A_145 = arith.remsi %select_n3A_47, %jit3A_128 : i32
      %ne3A_146 = arith.constant 0 : i32
      %ne3A_147 = arith.cmpi ne, %rem3A_145, %ne3A_146 : i32
      %and3A_148 = arith.andi %ne3A_144, %ne3A_147 : i1
      %sub3A_149 = arith.constant 1 : i32
      %sub3A_150 = arith.subi %div3A_129, %sub3A_149 : i32
      %select_n3A_151 = arith.select %and3A_148, %sub3A_150, %div3A_129 : i32
      %mul3A_152 = arith.constant 2 : i32
      %mul3A_153 = arith.muli %select_n3A_151, %mul3A_152 : i32
      %add3A_154 = arith.addi %mul3A_44, %mul3A_153 : i32
      %run_scoped3A = arith.constant 0 : i32
      "tpu.region"() ({
        %run_scoped3A_155 = tpu.sem_alloc : memref<!tpu.dma_semaphore, #tpu.memory_space<semaphore_mem>>
        %dma_start3A = arith.constant 0 : i32
        %dma_start3A_156 = tpu.memref_slice %arg5[%add3A_154, %run_scoped3A, %dma_start3A] : memref<157x1x128xi32, #tpu.memory_space<vmem>> -> memref<1x1x128xi32, #tpu.memory_space<vmem>>
        %dma_start3A_157 = tpu.memref_squeeze %dma_start3A_156 : memref<1x1x128xi32, #tpu.memory_space<vmem>> -> memref<128xi32, #tpu.memory_space<vmem>>
        %dma_start3A_158 = arith.constant 0 : i32
        %dma_start3A_159 = tpu.memref_slice %arg8[%dma_start3A_158] : memref<10240xf32, #tpu.memory_space<vmem_shared>> -> memref<10240xf32, #tpu.memory_space<vmem_shared>>
        tpu.enqueue_indirect_dma source(%arg6 : memref<128xf32, #tpu.memory_space<vmem>>) target(%dma_start3A_159 : memref<10240xf32, #tpu.memory_space<vmem_shared>>) offsets(%dma_start3A_157 : memref<128xi32, #tpu.memory_space<vmem>>) semaphore(%run_scoped3A_155 : memref<!tpu.dma_semaphore, #tpu.memory_space<semaphore_mem>>) {add = true}
        %dma_wait3A_160 = arith.constant 0 : i32
        %dma_wait3A_161 = tpu.memref_slice %arg5[%add3A_154, %run_scoped3A, %dma_wait3A_160] : memref<157x1x128xi32, #tpu.memory_space<vmem>> -> memref<1x1x128xi32, #tpu.memory_space<vmem>>
        %dma_wait3A_162 = tpu.memref_squeeze %dma_wait3A_161 : memref<1x1x128xi32, #tpu.memory_space<vmem>> -> memref<128xi32, #tpu.memory_space<vmem>>
        %dma_wait3A_163 = arith.constant 0 : i32
        %dma_wait3A_164 = tpu.memref_slice %arg8[%dma_wait3A_163] : memref<10240xf32, #tpu.memory_space<vmem_shared>> -> memref<10240xf32, #tpu.memory_space<vmem_shared>>
        tpu.wait_indirect_dma semaphore(%run_scoped3A_155 : memref<!tpu.dma_semaphore, #tpu.memory_space<semaphore_mem>>) src(%arg6 : memref<128xf32, #tpu.memory_space<vmem>>) dst(%dma_wait3A_164 : memref<10240xf32, #tpu.memory_space<vmem_shared>>)
        tpu.yield
      }) : () -> ()
    } else {
    }
    %barrier3A_115 = arith.constant 0 : index
    tpu.barrier barrier_id(%barrier3A_115)
    %mul3A_116 = arith.constant 640 : i32
    %mul3A_117 = arith.muli %arg1, %mul3A_116 : i32
    %eq3A_118 = arith.constant 0 : i32
    %eq3A_119 = arith.cmpi eq, %arg0, %eq3A_118 : i32
    %convert_element_type3A_120 = arith.extui %eq3A_119 : i1 to i32
    %cond3A_121 = arith.constant 0 : i32
    %cond3A_122 = arith.cmpi ne, %convert_element_type3A_120, %cond3A_121 : i32
    scf.if %cond3A_122 {
      %mul3A_128 = arith.constant 640 : i32
      %mul3A_129 = arith.muli %arg1, %mul3A_128 : i32
      "tpu.region"() ({
        %run_scoped3A = tpu.sem_alloc : memref<!tpu.dma_semaphore, #tpu.memory_space<semaphore_mem>>
        %dma_start3A = tpu.memref_slice %arg3[%mul3A_129] : memref<10240xf32, #tpu.memory_space<hbm>> -> memref<640xf32, #tpu.memory_space<hbm>>
        %dma_start3A_130 = tpu.memref_slice %arg8[%mul3A_117] : memref<10240xf32, #tpu.memory_space<vmem_shared>> -> memref<640xf32, #tpu.memory_space<vmem_shared>>
        tpu.enqueue_dma source(%dma_start3A_130 : memref<640xf32, #tpu.memory_space<vmem_shared>>) target(%dma_start3A : memref<640xf32, #tpu.memory_space<hbm>>) target_semaphore(%run_scoped3A : memref<!tpu.dma_semaphore, #tpu.memory_space<semaphore_mem>>)
        %dma_wait3A_131 = tpu.memref_slice %arg3[%mul3A_129] : memref<10240xf32, #tpu.memory_space<hbm>> -> memref<640xf32, #tpu.memory_space<hbm>>
        %dma_wait3A_132 = tpu.memref_slice %arg8[%mul3A_117] : memref<10240xf32, #tpu.memory_space<vmem_shared>> -> memref<640xf32, #tpu.memory_space<vmem_shared>>
        tpu.wait_dma2 semaphore(%run_scoped3A : memref<!tpu.dma_semaphore, #tpu.memory_space<semaphore_mem>>) src(%dma_wait3A_132 : memref<640xf32, #tpu.memory_space<vmem_shared>>) dst(%dma_wait3A_131 : memref<640xf32, #tpu.memory_space<hbm>>)
        tpu.yield
      }) : () -> ()
    } else {
    }
    %eq3A_123 = arith.constant 1 : i32
    %eq3A_124 = arith.cmpi eq, %arg0, %eq3A_123 : i32
    %convert_element_type3A_125 = arith.extui %eq3A_124 : i1 to i32
    %cond3A_126 = arith.constant 0 : i32
    %cond3A_127 = arith.cmpi ne, %convert_element_type3A_125, %cond3A_126 : i32
    scf.if %cond3A_127 {
      %mul3A_128 = arith.constant 640 : i32
      %mul3A_129 = arith.muli %arg1, %mul3A_128 : i32
      "tpu.region"() ({
        %run_scoped3A = tpu.sem_alloc : memref<!tpu.dma_semaphore, #tpu.memory_space<semaphore_mem>>
        %dma_start3A = tpu.memref_slice %arg4[%mul3A_129] : memref<10240xf32, #tpu.memory_space<hbm>> -> memref<640xf32, #tpu.memory_space<hbm>>
        %dma_start3A_130 = tpu.memref_slice %arg8[%mul3A_117] : memref<10240xf32, #tpu.memory_space<vmem_shared>> -> memref<640xf32, #tpu.memory_space<vmem_shared>>
        tpu.enqueue_dma source(%dma_start3A_130 : memref<640xf32, #tpu.memory_space<vmem_shared>>) target(%dma_start3A : memref<640xf32, #tpu.memory_space<hbm>>) target_semaphore(%run_scoped3A : memref<!tpu.dma_semaphore, #tpu.memory_space<semaphore_mem>>)
        %dma_wait3A_131 = tpu.memref_slice %arg4[%mul3A_129] : memref<10240xf32, #tpu.memory_space<hbm>> -> memref<640xf32, #tpu.memory_space<hbm>>
        %dma_wait3A_132 = tpu.memref_slice %arg8[%mul3A_117] : memref<10240xf32, #tpu.memory_space<vmem_shared>> -> memref<640xf32, #tpu.memory_space<vmem_shared>>
        tpu.wait_dma2 semaphore(%run_scoped3A : memref<!tpu.dma_semaphore, #tpu.memory_space<semaphore_mem>>) src(%dma_wait3A_132 : memref<640xf32, #tpu.memory_space<vmem_shared>>) dst(%dma_wait3A_131 : memref<640xf32, #tpu.memory_space<hbm>>)
        tpu.yield
      }) : () -> ()
    } else {
    }
    return
  }
}

module attributes {stable_mosaic.version = 14 : i64} {
  func.func @_out_body(%arg0: i32, %arg1: memref<1024x128xf32, #tpu.memory_space<vmem>>, %arg2: memref<1024x128xf32, #tpu.memory_space<vmem>>, %arg3: memref<1024xf32, #tpu.memory_space<vmem>>, %arg4: memref<1024x128xf32, #tpu.memory_space<vmem>>) attributes {dimension_semantics = [#tpu.dimension_semantics<arbitrary>], iteration_bounds = array<i64: 10>, scalar_prefetch = 0 : i64, scratch_operands = 0 : i64, tpu.core_type = #tpu.core_type<tc>, window_params = [{transform_indices = @transform_0, window_bounds = array<i64: 1024, 128>}, {transform_indices = @transform_1, window_bounds = array<i64: 1024, 128>}, {transform_indices = @transform_2, window_bounds = array<i64: 1024>}, {transform_indices = @transform_3, window_bounds = array<i64: 1024, 128>}]} {
    %get3A = arith.constant 0 : index
    %get3A_0 = arith.constant 0 : index
    %get3A_1 = vector.load %arg1[%get3A, %get3A_0] : memref<1024x128xf32, #tpu.memory_space<vmem>>, vector<1024x128xf32>
    %get3A_2 = arith.constant 0 : index
    %get3A_3 = arith.constant 0 : index
    %get3A_4 = vector.load %arg2[%get3A_2, %get3A_3] : memref<1024x128xf32, #tpu.memory_space<vmem>>, vector<1024x128xf32>
    %add3A = arith.addf %get3A_1, %get3A_4 : vector<1024x128xf32>
    %get3A_5 = arith.constant 0 : index
    %get3A_6 = vector.load %arg3[%get3A_5] : memref<1024xf32, #tpu.memory_space<vmem>>, vector<1024xf32>
    %add3A_7 = arith.constant 1.000000e+00 : f32
    %add3A_8 = vector.broadcast %add3A_7 : f32 to vector<1024xf32>
    %add3A_9 = arith.addf %get3A_6, %add3A_8 : vector<1024xf32>
    %rsqrt3A = math.rsqrt %add3A_9 : vector<1024xf32>
    %reshape3A = vector.shape_cast %rsqrt3A : vector<1024xf32> to vector<1x1024xf32>
    %transpose3A = tpu.transpose %reshape3A, [1, 0] : vector<1x1024xf32> -> vector<1024x1xf32>
    %mul3A = vector.broadcast %transpose3A : vector<1024x1xf32> to vector<1024x128xf32>
    %mul3A_10 = arith.mulf %add3A, %mul3A : vector<1024x128xf32>
    %swap3A = arith.constant 0 : index
    %swap3A_11 = arith.constant 0 : index
    %swap3A_12 = vector.load %arg4[%swap3A, %swap3A_11] : memref<1024x128xf32, #tpu.memory_space<vmem>>, vector<1024x128xf32>
    tpu.vector_store %arg4[%swap3A, %swap3A_11], %mul3A_10 {strides = array<i32>} : memref<1024x128xf32, #tpu.memory_space<vmem>>, vector<1024x128xf32>,
    return
  }
  func.func @transform_0(%arg0: i32) -> (i32, i32) {
    %c0_i32 = arith.constant 0 : i32
    %c0_i32_0 = arith.constant 0 : i32
    return %arg0, %c0_i32 : i32, i32
  }
  func.func @transform_1(%arg0: i32) -> (i32, i32) {
    %c0_i32 = arith.constant 0 : i32
    %c0_i32_0 = arith.constant 0 : i32
    return %arg0, %c0_i32 : i32, i32
  }
  func.func @transform_2(%arg0: i32) -> i32 {
    %c0_i32 = arith.constant 0 : i32
    return %arg0 : i32
  }
  func.func @transform_3(%arg0: i32) -> (i32, i32) {
    %c0_i32 = arith.constant 0 : i32
    %c0_i32_0 = arith.constant 0 : i32
    return %arg0, %c0_i32 : i32, i32
  }
}

module attributes {stable_mosaic.version = 14 : i64} {
  func.func @_y_body(%arg0: i32, %arg1: memref<1024x128xf32, #tpu.memory_space<vmem>>, %arg2: memref<128x128xf32, #tpu.memory_space<vmem>>, %arg3: memref<128x512xf32, #tpu.memory_space<vmem>>, %arg4: memref<1x512xf32, #tpu.memory_space<vmem>>, %arg5: memref<1x512xf32, #tpu.memory_space<vmem>>, %arg6: memref<1024xf32, #tpu.memory_space<vmem>>, %arg7: memref<1024x128xf32, #tpu.memory_space<vmem>>, %arg8: memref<128x128xf32, #tpu.memory_space<vmem>>) attributes {dimension_semantics = [#tpu.dimension_semantics<arbitrary>], iteration_bounds = array<i64: 10>, scalar_prefetch = 0 : i64, scratch_operands = 1 : i64, tpu.core_type = #tpu.core_type<tc>, window_params = [{transform_indices = @transform_0, window_bounds = array<i64: 1024, 128>}, {pipeline_mode = #tpu.pipeline_mode<synchronous>, transform_indices = @transform_1, window_bounds = array<i64: 128, 128>}, {pipeline_mode = #tpu.pipeline_mode<synchronous>, transform_indices = @transform_2, window_bounds = array<i64: 128, 512>}, {pipeline_mode = #tpu.pipeline_mode<synchronous>, transform_indices = @transform_3, window_bounds = array<i64: 1, 512>}, {pipeline_mode = #tpu.pipeline_mode<synchronous>, transform_indices = @transform_4, window_bounds = array<i64: 1, 512>}, {transform_indices = @transform_5, window_bounds = array<i64: 1024>}, {transform_indices = @transform_6, window_bounds = array<i64: 1024, 128>}]} {
    %eq3A = arith.constant 0 : i32
    %eq3A_0 = arith.cmpi eq, %arg0, %eq3A : i32
    %convert_element_type3A = arith.extui %eq3A_0 : i1 to i32
    %cond3A = arith.constant 0 : i32
    %cond3A_1 = arith.cmpi ne, %convert_element_type3A, %cond3A : i32
    scf.if %cond3A_1 {
      %get3A_15 = arith.constant 0 : index
      %get3A_16 = arith.constant 0 : index
      %get3A_17 = vector.load %arg2[%get3A_15, %get3A_16] : memref<128x128xf32, #tpu.memory_space<vmem>>, vector<128x128xf32>
      %get3A_18 = arith.constant 0 : index
      %get3A_19 = arith.constant 0 : index
      %get3A_20 = vector.load %arg3[%get3A_18, %get3A_19] : memref<128x512xf32, #tpu.memory_space<vmem>>, vector<128x512xf32>
      %dot_general3A_21 = arith.constant dense<0.000000e+00> : vector<128x512xf32>
      %dot_general3A_22 = tpu.matmul %get3A_17, %get3A_20, %dot_general3A_21 {dimension_numbers = #tpu.dot_dimension_numbers<[1], [0], [0], [1], [0, 0, 1, 1], [], []>, transpose_lhs_hint = false} : vector<128x128xf32>, vector<128x512xf32>, vector<128x512xf32> -> vector<128x512xf32>
      %get3A_23 = arith.constant 0 : index
      %get3A_24 = arith.constant 0 : index
      %get3A_25 = vector.load %arg4[%get3A_23, %get3A_24] : memref<1x512xf32, #tpu.memory_space<vmem>>, vector<1x512xf32>
      %add3A_26 = vector.broadcast %get3A_25 : vector<1x512xf32> to vector<128x512xf32>
      %add3A_27 = arith.addf %dot_general3A_22, %add3A_26 : vector<128x512xf32>
      %get3A_28 = arith.constant 0 : index
      %get3A_29 = arith.constant 0 : index
      %get3A_30 = vector.load %arg5[%get3A_28, %get3A_29] : memref<1x512xf32, #tpu.memory_space<vmem>>, vector<1x512xf32>
      %add3A_31 = vector.broadcast %get3A_30 : vector<1x512xf32> to vector<128x512xf32>
      %add3A_32 = arith.addf %add3A_27, %add3A_31 : vector<128x512xf32>
      %slice3A = vector.extract_strided_slice %add3A_32 {offsets = [0, 0], sizes = [128, 128], strides = [1, 1]} : vector<128x512xf32> to vector<128x128xf32>
      %slice3A_33 = vector.extract_strided_slice %add3A_32 {offsets = [0, 256], sizes = [128, 128], strides = [1, 1]} : vector<128x512xf32> to vector<128x128xf32>
      %slice3A_34 = vector.extract_strided_slice %add3A_32 {offsets = [0, 384], sizes = [128, 128], strides = [1, 1]} : vector<128x512xf32> to vector<128x128xf32>
      %neg3A = arith.constant 0.000000e+00 : f32
      %neg3A_35 = vector.broadcast %neg3A : f32 to vector<128x128xf32>
      %neg3A_36 = arith.subf %neg3A_35, %slice3A : vector<128x128xf32>
      %exp3A = math.exp %neg3A_36 : vector<128x128xf32>
      %add3A_37 = arith.constant 1.000000e+00 : f32
      %add3A_38 = vector.broadcast %add3A_37 : f32 to vector<128x128xf32>
      %add3A_39 = arith.addf %add3A_38, %exp3A : vector<128x128xf32>
      %div3A = arith.constant 1.000000e+00 : f32
      %div3A_40 = vector.broadcast %div3A : f32 to vector<128x128xf32>
      %div3A_41 = arith.divf %div3A_40, %add3A_39 : vector<128x128xf32>
      %tanh3A = math.tanh %slice3A_33 : vector<128x128xf32>
      %mul3A_42 = arith.mulf %div3A_41, %tanh3A : vector<128x128xf32>
      %neg3A_43 = arith.constant 0.000000e+00 : f32
      %neg3A_44 = vector.broadcast %neg3A_43 : f32 to vector<128x128xf32>
      %neg3A_45 = arith.subf %neg3A_44, %slice3A_34 : vector<128x128xf32>
      %exp3A_46 = math.exp %neg3A_45 : vector<128x128xf32>
      %add3A_47 = arith.constant 1.000000e+00 : f32
      %add3A_48 = vector.broadcast %add3A_47 : f32 to vector<128x128xf32>
      %add3A_49 = arith.addf %add3A_48, %exp3A_46 : vector<128x128xf32>
      %div3A_50 = arith.constant 1.000000e+00 : f32
      %div3A_51 = vector.broadcast %div3A_50 : f32 to vector<128x128xf32>
      %div3A_52 = arith.divf %div3A_51, %add3A_49 : vector<128x128xf32>
      %tanh3A_53 = math.tanh %mul3A_42 : vector<128x128xf32>
      %mul3A_54 = arith.mulf %div3A_52, %tanh3A_53 : vector<128x128xf32>
      %swap3A_55 = arith.constant 0 : index
      %swap3A_56 = arith.constant 0 : index
      %swap3A_57 = vector.load %arg8[%swap3A_55, %swap3A_56] : memref<128x128xf32, #tpu.memory_space<vmem>>, vector<128x128xf32>
      tpu.vector_store %arg8[%swap3A_55, %swap3A_56], %mul3A_54 {strides = array<i32>} : memref<128x128xf32, #tpu.memory_space<vmem>>, vector<128x128xf32>,
    } else {
    }
    %get3A = arith.constant 0 : index
    %get3A_2 = arith.constant 0 : index
    %get3A_3 = vector.load %arg1[%get3A, %get3A_2] : memref<1024x128xf32, #tpu.memory_space<vmem>>, vector<1024x128xf32>
    %get3A_4 = arith.constant 0 : index
    %get3A_5 = arith.constant 0 : index
    %get3A_6 = vector.load %arg8[%get3A_4, %get3A_5] : memref<128x128xf32, #tpu.memory_space<vmem>>, vector<128x128xf32>
    %dot_general3A = arith.constant dense<0.000000e+00> : vector<1024x128xf32>
    %dot_general3A_7 = tpu.matmul %get3A_3, %get3A_6, %dot_general3A {dimension_numbers = #tpu.dot_dimension_numbers<[1], [0], [0], [1], [0, 0, 1, 1], [], []>, transpose_lhs_hint = false} : vector<1024x128xf32>, vector<128x128xf32>, vector<1024x128xf32> -> vector<1024x128xf32>
    %get3A_8 = arith.constant 0 : index
    %get3A_9 = vector.load %arg6[%get3A_8] : memref<1024xf32, #tpu.memory_space<vmem>>, vector<1024xf32>
    %add3A = arith.constant 1.000000e+00 : f32
    %add3A_10 = vector.broadcast %add3A : f32 to vector<1024xf32>
    %add3A_11 = arith.addf %get3A_9, %add3A_10 : vector<1024xf32>
    %rsqrt3A = math.rsqrt %add3A_11 : vector<1024xf32>
    %reshape3A = vector.shape_cast %rsqrt3A : vector<1024xf32> to vector<1x1024xf32>
    %transpose3A = tpu.transpose %reshape3A, [1, 0] : vector<1x1024xf32> -> vector<1024x1xf32>
    %mul3A = vector.broadcast %transpose3A : vector<1024x1xf32> to vector<1024x128xf32>
    %mul3A_12 = arith.mulf %dot_general3A_7, %mul3A : vector<1024x128xf32>
    %swap3A = arith.constant 0 : index
    %swap3A_13 = arith.constant 0 : index
    %swap3A_14 = vector.load %arg7[%swap3A, %swap3A_13] : memref<1024x128xf32, #tpu.memory_space<vmem>>, vector<1024x128xf32>
    tpu.vector_store %arg7[%swap3A, %swap3A_13], %mul3A_12 {strides = array<i32>} : memref<1024x128xf32, #tpu.memory_space<vmem>>, vector<1024x128xf32>,
    return
  }
  func.func @transform_0(%arg0: i32) -> (i32, i32) {
    %c0_i32 = arith.constant 0 : i32
    %c0_i32_0 = arith.constant 0 : i32
    return %arg0, %c0_i32 : i32, i32
  }
  func.func @transform_1(%arg0: i32) -> (i32, i32) {
    %c0_i32 = arith.constant 0 : i32
    %c0_i32_0 = arith.constant 0 : i32
    %c0_i32_1 = arith.constant 0 : i32
    return %c0_i32, %c0_i32_0 : i32, i32
  }
  func.func @transform_2(%arg0: i32) -> (i32, i32) {
    %c0_i32 = arith.constant 0 : i32
    %c0_i32_0 = arith.constant 0 : i32
    %c0_i32_1 = arith.constant 0 : i32
    return %c0_i32, %c0_i32_0 : i32, i32
  }
  func.func @transform_3(%arg0: i32) -> (i32, i32) {
    %c0_i32 = arith.constant 0 : i32
    %c0_i32_0 = arith.constant 0 : i32
    %c0_i32_1 = arith.constant 0 : i32
    return %c0_i32, %c0_i32_0 : i32, i32
  }
  func.func @transform_4(%arg0: i32) -> (i32, i32) {
    %c0_i32 = arith.constant 0 : i32
    %c0_i32_0 = arith.constant 0 : i32
    %c0_i32_1 = arith.constant 0 : i32
    return %c0_i32, %c0_i32_0 : i32, i32
  }
  func.func @transform_5(%arg0: i32) -> i32 {
    %c0_i32 = arith.constant 0 : i32
    return %arg0 : i32
  }
  func.func @transform_6(%arg0: i32) -> (i32, i32) {
    %c0_i32 = arith.constant 0 : i32
    %c0_i32_0 = arith.constant 0 : i32
    return %arg0, %c0_i32 : i32, i32
  }
}

</mosaic_0001>

<sc_bundles>
// kernel: kernel.6.cloned.1.call-start
scs
__scs_entry_jumppad:
0x0: {  	(pc) =	sbr.rel $0x88, $3  }
0x1: {  	(tag) =	ssettag $0x0;
	lr =	simm.s32 $0x1  }
0x2: {  	[smem:$0x3F9B] =	sst lr;
	_ =	strace $0xD0000000  }
0x3: {  	_ = 	snop  }
0x4: {  	_ = 	snop  }
0x5: {  	_ = 	snop  }
0x6: {  	_ = 	snop  }
0x7: {  	_ = 	snop  }
__scs_overlays_trampoline_lowered:
0x8: {  	[smem:$0x3FAA] =	sst s0  }
0x9: {  	[smem:$0x3FAB] =	sst s1  }
0xa: {  	[smem:$0x3FAC] =	sst s2  }
0xb: {  	[smem:$0x3FAD] =	sst s3  }
0xc: {  	[smem:$0x3FAE] =	sst s4  }
0xd: {  	[smem:$0x3FAF] =	sst s5  }
0xe: {  	[smem:$0x3FB0] =	sst s6  }
0xf: {  	[smem:$0x3FB1] =	sst s7  }
0x10: {  	[smem:$0x3FB2] =	sst s8  }
0x11: {  	[smem:$0x3FB3] =	sst s9;
	s0 =	simm.s32 @!p0 $0x0  }
0x12: {  	s1 =	sld [smem:$0x3F99];
	s0 =	simm.s32 @p0 $0x1  }
0x13: {  	[smem:$0x3FB4] =	sst s0;
	s0 =	simm.s32 @!p1 $0x0  }
0x14: {  	s2 =	sld [smem:$0x3F98];
	s0 =	simm.s32 @p1 $0x1  }
0x15: {  	[smem:$0x3FB5] =	sst s0;
	s0 =	simm.s32 @!p2 $0x0  }
0x16: {  	s3 =	sld [smem:$0x3FDB];
	s0 =	simm.s32 @p2 $0x1  }
0x17: {  	s4 =	simm.s32 $0x1BF5;
	[smem:$0x3FB7] =	sst s0  }
0x18: {  	s0 =	sld [smem:$0x3F9A];
	_ =	swait.ge [sflag:s4], $0x0  }
0x19: {  	s7 =	sld [smem:$0x3F9B]  }
0x1a: {  	s8 =	sadd.s32 $0xFFFFE003, lr  }
0x1b: {  	s9 =	sadd.s32 $0xFFFFFEF7, lr;
	s5 =	simm.s32 $0xFFFFFFFF;
	p2 =	slt.u32 s8, $0xFFFFF086  }
0x1c: {  	p1 =	slt.u32 s9, $0xF7A;
	s5 =	simm.s32 @!p2 $0x0  }
0x1d: {  	s5 =	simm.s32 @p1 $0x1;
	p0 =	seq.s32 s7, s2  }
0x1e: {  	s7 =	smul.u32 @!p0 $0xF7A, s2;
	p2 =	seq.s32 @!p0 s5, $0x0  }
0x1f: {  	s9 =	smul.u32 $0xF7A, s1;
	s8 =	simm.s32 @!p0 $0x1BF5;
	p2 =	por !p2, p0  }
0x20: {  	[sflag:s8] =	ssyncset.s32 @!p0 $0xFFFFF086;
	s6 =	sadd.s32 @!p0 s3, s7;
	s7 =	simm.s32 @!p0 $0x108  }
0x21: {  	s3 =	sadd.s32 s3, s9;
	s6 =	sadd.s32 @!p0 $0x88, s6;
	s7 =	simm.s32 @p2 $0x1082  }
0x22: {  	[simem:s7], [sflag:s8] =	dma.local @!p0 [hbm:s6], $0xF7A  }
0x23: {  	s9 =	sor.u32 $0xD0000000, s2;
	s6 =	simm.s32 $0x108;
	_ =	swait.ge @!p0 [sflag:s8], $0x0  }
0x24: {  	s3 =	sadd.s32 $0x88, s3;
	s6 =	simm.s32 @!p1 $0x1082;
	[sflag:s4] =	ssyncset.s32 $0xFFFFF086  }
0x25: {  	[simem:s6], [sflag:s4] =	dma.local [hbm:s3], $0xF7A  }
0x26: {  	[smem:$0x3F9B] =	sst s1;
	(tag) =	ssettag s2;
	_ =	strace s9  }
0x27: {  	s1 =	sld [smem:$0x3FAB]  }
0x28: {  	s2 =	sld [smem:$0x3FAC]  }
0x29: {  	s4 =	sld [smem:$0x3FAE]  }
0x2a: {  	p0 =	seq.s32 s5, $0x0;
	s5 =	sld [smem:$0x3FAF]  }
0x2b: {  	s6 =	sld [smem:$0x3FB0]  }
0x2c: {  	s7 =	sld [smem:$0x3FB1]  }
0x2d: {  	s3 =	simm.s32 $0x108;
	s8 =	sld [smem:$0x3FB2]  }
0x2e: {  	s3 =	simm.s32 @!p0 $0x1082;
	s9 =	sld [smem:$0x3FB3]  }
0x2f: {  	lr =	sadd.s32 s0, s3;
	s0 =	sld [smem:$0x3FAA]  }
0x30: {  	s3 =	sld [smem:$0x3FAD]  }
0x31: {  	[smem:$0x3FB6] =	sst s10  }
0x32: {  	s10 =	sld [smem:$0x3FB4];
	_ =	sdelay $0x3  }
0x33: {  	p0 =	seq.s32 s10, $0x1;
	s10 =	sld [smem:$0x3FB6];
	_ =	sdelay $0x3  }
0x34: {  	[smem:$0x3FB6] =	sst s10  }
0x35: {  	s10 =	sld [smem:$0x3FB5];
	_ =	sdelay $0x3  }
0x36: {  	p1 =	seq.s32 s10, $0x1;
	s10 =	sld [smem:$0x3FB6];
	_ =	sdelay $0x3  }
0x37: {  	[smem:$0x3FB6] =	sst s10  }
0x38: {  	s10 =	sld [smem:$0x3FB7]  }
0x39: {  	_ = 	snop;
	(pc) =	sbr.ind lr, $3  }
0x3a: {  	_ = 	snop  }
0x3b: {  	_ = 	snop  }
0x3c: {  	p2 =	seq.s32 s10, $0x1;
	s10 =	sld [smem:$0x3FB6]  }
0x3d: {  	_ =	shalt  }
0x3e: {  	_ =	shalt  }
0x3f: {  	_ =	shalt  }
0x40: {  	_ =	shalt  }
0x41: {  	_ =	shalt  }
0x42: {  	_ =	shalt  }
0x43: {  	_ =	shalt  }
0x44: {  	_ =	shalt  }
0x45: {  	_ =	shalt  }
0x46: {  	_ =	shalt  }
0x47: {  	_ =	shalt  }
0x48: {  	_ =	shalt  }
0x49: {  	_ =	shalt  }
0x4a: {  	_ =	shalt  }
0x4b: {  	_ =	shalt  }
0x4c: {  	_ =	shalt  }
0x4d: {  	_ =	shalt  }
0x4e: {  	_ =	shalt  }
0x4f: {  	_ =	shalt  }
0x50: {  	_ =	shalt  }
0x51: {  	_ =	shalt  }
0x52: {  	_ =	shalt  }
0x53: {  	_ =	shalt  }
0x54: {  	_ =	shalt  }
0x55: {  	_ =	shalt  }
0x56: {  	_ =	shalt  }
0x57: {  	_ =	shalt  }
0x58: {  	_ =	shalt  }
0x59: {  	_ =	shalt  }
0x5a: {  	_ =	shalt  }
0x5b: {  	_ =	shalt  }
0x5c: {  	_ =	shalt  }
0x5d: {  	_ =	shalt  }
0x5e: {  	_ =	shalt  }
0x5f: {  	_ =	shalt  }
0x60: {  	_ =	shalt  }
0x61: {  	_ =	shalt  }
0x62: {  	_ =	shalt  }
0x63: {  	_ =	shalt  }
0x64: {  	_ =	shalt  }
0x65: {  	_ =	shalt  }
0x66: {  	_ =	shalt  }
0x67: {  	_ =	shalt  }
0x68: {  	_ =	shalt  }
0x69: {  	_ =	shalt  }
0x6a: {  	_ =	shalt  }
0x6b: {  	_ =	shalt  }
0x6c: {  	_ =	shalt  }
0x6d: {  	_ =	shalt  }
0x6e: {  	_ =	shalt  }
0x6f: {  	_ =	shalt  }
0x70: {  	_ =	shalt  }
0x71: {  	_ =	shalt  }
0x72: {  	_ =	shalt  }
0x73: {  	_ =	shalt  }
0x74: {  	_ =	shalt  }
0x75: {  	_ =	shalt  }
0x76: {  	_ =	shalt  }
0x77: {  	_ =	shalt  }
0x78: {  	_ =	shalt  }
0x79: {  	_ =	shalt  }
0x7a: {  	_ =	shalt  }
0x7b: {  	_ =	shalt  }
0x7c: {  	_ =	shalt  }
0x7d: {  	_ =	shalt  }
0x7e: {  	_ =	shalt  }
0x7f: {  	_ =	shalt  }
0x80: {  	_ =	shalt  }
0x81: {  	_ =	shalt  }
0x82: {  	_ =	shalt  }
0x83: {  	_ =	shalt  }
0x84: {  	_ =	shalt  }
0x85: {  	_ =	shalt  }
0x86: {  	_ =	shalt  }
0x87: {  	_ =	shalt  }
.Lfunc_end0:
.L_simem_size_0:
called_computation_lowered:
.L_overlay_start_0:
0x88: {  	s2 =	sld [smem:$0x3FD9]  }
0x89: {  	s3 =	sld [smem:$0x3FFE];
	_ =	sdelay $0x1  }
0x8a: {  	s1 =	srdreg.scid  }
0x8b: {  	s0 =	sand.u32 $0x1, s1  }
0x8c: {  	s17 =	sshll.u32 s0, $0xA;
	s2 =	sadd.s32 s3, s2  }
0x8d: {  	s2 =	sadd.s32 s2, s17  }
0x8e: {  	[smem:$0x3FC2] =	sst s2  }
0x8f: {  	_ = 	snop  }
0x90: {  	s2 =	sld [smem:$0x3FC8]  }
0x91: {  	s18 =	sld [smem:$0x3FD0];
	(tm) =	ssettm $0x1  }
0x92: {  	s4 =	sld [smem:$0x3FFB];
	_ =	sdelay $0x3  }
0x93: {  	_ =	strace s4  }
0x94: {  	s4 =	sld [smem:$0x3FFC];
	_ =	sdelay $0x3  }
0x95: {  	_ =	strace s4  }
0x96: {  	s4 =	sld [smem:$0x3FFD];
	_ =	sdelay $0x3  }
0x97: {  	_ =	strace s4  }
0x98: {  	_ =	strace $0x8FFFFFFF  }
0x99: {  	s19 =	sld [smem:$0x3FDB];
	_ =	sdelay $0x1  }
0x9a: {  	s5 =	simm.s32 $_scs_section_size  }
0x9b: {  	s6 =	simm.s32 $_size__tile_overlayer_lowered;
	s7 =	simm.s32 $_tile_overlayer_lowered  }
0x9c: {  	s22 =	simm.s32 $0x1BFF;
	s21 =	sshll.u32 s7, $0x1;
	s4 =	sadd.s32 s5, s19  }
0x9d: {  	s8 =	simm.s32 $0x0;
	s20 =	sshll.u32 s6, $0x1;
	s6 =	sadd.s32 s21, s4  }
0x9e: {  	[timem:s8], [sflag:s22] =	dma.local [hbm:s6], s20  }
0x9f: {  	_ =	swait.ge [sflag:s22], s20  }
0xa0: {  	s5 =	ssub.s32 $0x0, s20;
	[sflag:s22] =	ssyncset.done $0x0  }
0xa1: {  	[sflag:s22] =	ssyncadd.s32 s5;
	_ =	sdelay $0x1  }
0xa2: {  	s23 =	simm.s32 $0x1B8B  }
0xa3: {  	_ =	swait.ge [sflag:s23], $0x1  }
0xa4: {  	[sflag:s23] =	ssyncset.done $0x0  }
0xa5: {  	s25 =	simm.s32 $0x1B8E;
	s24 =	sld [smem:$0x3FFE];
	[sflag:s23] =	ssyncadd.s32 $0xFFFFFFFF  }
0xa6: {  	s26 =	simm.s32 $execute0_lowered;
	[smem:$0x3FD2] =	sst s25  }
0xa7: {  	s6 =	sshll.u32 s26, $0x1;
	_ =	strace $0x80000046;
	[dreg:$0x1] =	wrdreg $0xFFFFFFFF  }
0xa8: {  	s28 =	simm.s32 $_size_execute0_lowered;
	s4 =	sadd.s32 s4, s6;
	[dreg:$0x0] =	wrdreg $0x0  }
0xa9: {  	s6 =	sshll.u32 s28, $0x1;
	[dreg:$0x2] =	wrdreg s4  }
0xaa: {  	[dreg:$0x3] =	wrdreg s6  }
0xab: {  	[dreg:$0x4] =	wrdreg $0xC0  }
0xac: {  	_ =	task [dreg:s8], $0x5FFFF  }
0xad: {  	[dreg:$0x1] =	wrdreg $0xFFFFFFFF  }
0xae: {  	[dreg:$0x0] =	wrdreg $0x60  }
0xaf: {  	[dreg:$0x2] =	wrdreg s2  }
0xb0: {  	[dreg:$0x3] =	wrdreg s18  }
0xb1: {  	[dreg:$0x4] =	wrdreg s24  }
0xb2: {  	[dreg:$0x5] =	wrdreg $0x51800  }
0xb3: {  	[dreg:$0x6] =	wrdreg $0x9  }
0xb4: {  	_ =	task.clear_ibuf [dreg:s8], $0x7FFFF;
	_ =	strace $0x90000046  }
0xb5: {  	s29 =	simm.s32 $0x9;
	_ =	strace $0x80000048  }
0xb6: {  	_ =	swait.ge [sflag:s29], $0x1  }
0xb7: {  	[sflag:s29] =	ssyncadd.s32 $0xFFFFFFFF  }
0xb8: {  	_ =	strace $0x90000048  }
0xb9: {  	_ =	sfence  }
0xba: {  	s30 =	sld [smem:$0x0];
	_ =	sdelay $0x2  }
0xbb: {  	s31 =	sshll.u32 s1, $0xD;
	s1 =	sshrl.u32 s1, $0x2  }
0xbc: {  	s3 =	sand.u32 $0x4000, s31;
	s1 =	sadd.s32 s1, s30  }
0xbd: {  	s0 =	sor.u32 s3, s0;
	s1 =	sshll.u32 s1, $0x11  }
0xbe: {  	s0 =	sor.u32 s1, s0  }
0xbf: {  	s0 =	sadd.s32 $0x8F2B, s0  }
0xc0: {  	[sflag:s0] =	ssyncadd.remote.s32 $0x1  }
0xc1: {  	_ =	sfence.sel $0xFFFF  }
0xc2: {  	[dreg:$0x0] =	wrdreg $0xFFFFFFFF;
	(pc) =	sbr.abs _section_cstart, $3  }
0xc3: {  	[dreg:$0x1] =	wrdreg $0xFFFFFFFF  }
0xc4: {  	_ =	task.clear_ibuf [dreg:s8], $0x2FFFF;
	_ =	strace $0x9FFFFFFF  }
0xc5: {  	(tm) =	ssettm $0x7FFFFFFF  }
tec
execute0_lowered:
.L_overlay_start_1:
0x0: {  	(tag) =	ssettag $0x1  }
0x1: {  	s5 =	rddreg [dreg:$0x0]  }
0x2: {  	s7 =	rddreg [dreg:$0x1]  }
0x3: {  	s6 =	rddreg [dreg:$0x2]  }
0x4: {  	s2 =	rddreg [dreg:$0x3]  }
0x5: {  	s0 =	rddreg [dreg:$0x4];
	s3 =	simm.s32 $0x0  }
0x6: {  	s1 =	stileid.u32;
	s4 =	srdreg.scid;
	s13 =	simm.s32 $0x80  }
0x7: {  	s14 =	simm.s32 $0x4E80;
	s15 =	simm.s32 $0x1;
	s8 =	smul.u32 $0x9C, s1  }
0x8: {  	s16 =	simm.s32 $0x2;
	[smem:$0x7FF] =	sst s3;
	s9 =	smul.u32 $0x280, s1  }
0x9: {  	s10 =	smin.u32 s1, $0x4;
	s4 =	sand.u32 $0x1, s4;
	p1 =	sgt.u32 s1, $0x3  }
0xa: {  	_ =	strace $0x80000047;
	s11 =	ssub.s32 $0x2, s4;
	p0 =	seq.s32 s4, $0x1  }
0xb: {  	p2 =	seq.s32 s4, $0x0;
	s8 =	sadd.s32 s10, s8;
	s30 =	sshrl.u32 s9, $0x3  }
0xc: {  	s31 =	sshrl.u32 s11, $0x1;
	s10 =	sshll.u32 s4, $0x9;
	s17 =	sshll.u32 @!p0 s1, $0x6  }
0xd: {  	s19 =	sshll.u32 @!p2 s1, $0x6;
	s8 =	sshll.u32 s8, $0x5;
	s12 =	sadd.s32 s30, s6  }
0xe: {  	s11 =	ssub.s32 s11, s31;
	s7 =	sadd.s32 s7, s30;
	s17 =	sor.u32 @!p0 $0x1C03, s17  }
0xf: {  	s19 =	sor.u32 @!p2 $0x1C03, s19;
	s8 =	sadd.s32 s8, s5;
	s5 =	sadd.s32 s9, s2  }
0x10: {  	s9 =	smax.u32 s11, $0x1;
	s11 =	simm.s32 $0x4F00;
	s6 =	sadd.s32 $0x10, s8  }
0x11: {  	v0 =	vimm.f32 $0.0e+00;
	v1 =	vimm.f32 $1.000000000e+00;
	s8 =	sadd.s32 $0x1C00, s12;
	s12 =	simm.s32 $0x3;
	s18 =	sshrl.u32 @!p0 s5, $0x3  }
.LBB2_1:
0x12: {  	[tilespmem:$0x4F00] =	vst v0  }
0x13: {  	[tilespmem:$0x4F10] =	vst v0  }
0x14: {  	[tilespmem:$0x4F20] =	vst v0  }
0x15: {  	[tilespmem:$0x4F30] =	vst v0  }
0x16: {  	[tilespmem:$0x4F40] =	vst v0  }
0x17: {  	[tilespmem:$0x4F50] =	vst v0  }
0x18: {  	[tilespmem:$0x4F60] =	vst v0  }
0x19: {  	[tilespmem:$0x4F70] =	vst v0  }
0x1a: {  	[tilespmem:$0x4F80] =	vst v0  }
0x1b: {  	[tilespmem:$0x4F90] =	vst v0  }
0x1c: {  	[tilespmem:$0x4FA0] =	vst v0  }
0x1d: {  	[tilespmem:$0x4FB0] =	vst v0  }
0x1e: {  	[tilespmem:$0x4FC0] =	vst v0  }
0x1f: {  	[tilespmem:$0x4FD0] =	vst v0  }
0x20: {  	[tilespmem:$0x4FE0] =	vst v0  }
0x21: {  	[tilespmem:$0x4FF0] =	vst v0  }
0x22: {  	[tilespmem:$0x5000] =	vst v0  }
0x23: {  	[tilespmem:$0x5010] =	vst v0  }
0x24: {  	[tilespmem:$0x5020] =	vst v0  }
0x25: {  	[tilespmem:$0x5030] =	vst v0  }
0x26: {  	[tilespmem:$0x5040] =	vst v0  }
0x27: {  	[tilespmem:$0x5050] =	vst v0  }
0x28: {  	[tilespmem:$0x5060] =	vst v0  }
0x29: {  	[tilespmem:$0x5070] =	vst v0  }
0x2a: {  	[tilespmem:$0x5080] =	vst v0  }
0x2b: {  	[tilespmem:$0x5090] =	vst v0  }
0x2c: {  	[tilespmem:$0x50A0] =	vst v0  }
0x2d: {  	[tilespmem:$0x50B0] =	vst v0  }
0x2e: {  	[tilespmem:$0x50C0] =	vst v0  }
0x2f: {  	[tilespmem:$0x50D0] =	vst v0  }
0x30: {  	[tilespmem:$0x50E0] =	vst v0  }
0x31: {  	[tilespmem:$0x50F0] =	vst v0  }
0x32: {  	[tilespmem:$0x5100] =	vst v0  }
0x33: {  	[tilespmem:$0x5110] =	vst v0  }
0x34: {  	[tilespmem:$0x5120] =	vst v0  }
0x35: {  	[tilespmem:$0x5130] =	vst v0  }
0x36: {  	[tilespmem:$0x5140] =	vst v0  }
0x37: {  	[tilespmem:$0x5150] =	vst v0  }
0x38: {  	[tilespmem:$0x5160] =	vst v0  }
0x39: {  	[tilespmem:$0x5170] =	vst v0  }
0x3a: {  	[spmem:s5] =	stream.linear.scatter [tilespmem:s11], [sflag:$0x3], $0x280, $0x38;
	[tilespmem:$0x5400] =	vst v63  }
0x3b: {  	_ =	swait.ge [sflag:s12], $0x280  }
0x3c: {  	[sflag:s12] =	ssyncset.done $0x0  }
0x3d: {  	[sflag:s12] =	ssyncadd.s32 $0xFFFFFD80  }
0x3e: {  	[tilespmem:$0x4E80] =	vst v1  }
0x3f: {  	[tilespmem:$0x4E90] =	vst v1  }
0x40: {  	[tilespmem:$0x4EA0] =	vst v1  }
0x41: {  	[tilespmem:$0x4EB0] =	vst v1  }
0x42: {  	[tilespmem:$0x4EC0] =	vst v1  }
0x43: {  	[tilespmem:$0x4ED0] =	vst v1  }
0x44: {  	[tilespmem:$0x4EE0] =	vst v1  }
0x45: {  	s20 =	simm.s32 @p1 $0x80;
	[tilespmem:$0x4EF0] =	vst v1  }
0x46: {  	s21 =	simm.s32 @p1 $0x100;
	s22 =	simm.s32 @p1 $0x0;
	[bflag:$0x0] =	sbarrier.arrive $0xFFFF  }
0x47: {  	[tilespmem:s22], [sflag:$0x3] =	stream.strided.gather @p1 [hbm4b:s6+s20], $0x4E00, s21, s20, $0x38;
	[tilespmem:$0x5400] =	vst v63  }
0x48: {  	s20 =	simm.s32 @p1 $0x3  }
0x49: {  	_ =	swait.ge @p1 [sflag:s20], $0x4E00  }
0x4a: {  	s21 =	simm.s32 @!p1 $0x100;
	[sflag:s20] =	ssyncset.done @p1 $0x0  }
0x4b: {  	s22 =	simm.s32 @!p1 $0x0;
	[sflag:s20] =	ssyncadd.s32 @p1 $0xFFFFB200;
	s20 =	simm.s32 @!p1 $0x80  }
0x4c: {  	[tilespmem:s22], [sflag:$0x3] =	stream.strided.gather @!p1 [hbm4b:s6+s20], $0x4E80, s21, s20, $0x38;
	[tilespmem:$0x5400] =	vst v63  }
0x4d: {  	s20 =	simm.s32 @!p1 $0x4F  }
0x4e: {  	s21 =	simm.s32 @!p1 $0x3;
	s20 =	simm.s32 @p1 $0x4E  }
0x4f: {  	_ =	swait.ge @!p1 [sflag:s21], $0x4E80;
	s28 =	smul.u32 s4, s20  }
0x50: {  	[sflag:s21] =	ssyncset.done @!p1 $0x0  }
0x51: {  	[sflag:s21] =	ssyncadd.s32 @!p1 $0xFFFFB180;
	s29 =	sshll.u32 s28, $0x7  }
0x52: {  	[spmem:s2] =	stream.indirect.scatter.add.f32 [tilespmem:s14], [sflag:$0x1], $0x1, s29, s13, $0xb8;
	[tilespmem:$0x5400] =	vst v63  }
0x53: {  	s30 =	smul.u32 s20, s10;
	s21 =	sadd.s32 $0x80, s29  }
0x54: {  	[spmem:s2] =	stream.indirect.scatter.add.f32 [tilespmem:s14], [sflag:$0x2], $0x1, s21, s13, $0xb8;
	[tilespmem:$0x5400] =	vst v63  }
0x55: {  	s21 =	sshrl.u32 s30, $0x2;
	_ =	swait.ge [sflag:s15], $0x80  }
0x56: {  	s23 =	sadd.s32 $0xFFFFDA00, s21;
	[sflag:s15] =	ssyncset.done $0x0  }
0x57: {  	s31 =	sadd.s32 $0x2700, s23;
	[sflag:s15] =	ssyncadd.s32 $0xFFFFFF80  }
0x58: {  	[spmem:s2] =	stream.indirect.scatter.add.f32 [tilespmem:s14], [sflag:$0x1], $0x1, s31, s13, $0xb8;
	[tilespmem:$0x5400] =	vst v63  }
0x59: {  	_ =	swait.ge [sflag:s16], $0x80  }
0x5a: {  	[sflag:s16] =	ssyncset.done $0x0  }
0x5b: {  	s22 =	simm.s32 $0xFFFF6C00;
	s23 =	sadd.s32 $0x2780, s23;
	[sflag:s16] =	ssyncadd.s32 $0xFFFFFF80  }
.LBB2_2:
0x5c: {  	[spmem:s2] =	stream.indirect.scatter.add.f32 [tilespmem:s14], [sflag:$0x2], $0x1, s23, s13, $0xb8;
	[tilespmem:$0x5400] =	vst v63  }
0x5d: {  	s23 =	sshra.s32 s22, $0x2;
	p3 =	sne.s32 s22, $0xFFFFFC00;
	_ =	swait.ge [sflag:s15], $0x80  }
0x5e: {  	s22 =	sadd.s32 $0x400, s22;
	s23 =	sadd.s32 s23, s21;
	[sflag:s15] =	ssyncset.done $0x0  }
.Ltmp0:
0x5f: {  	s24 =	sadd.s32 $0x2700, s23;
	[sflag:s15] =	ssyncadd.s32 $0xFFFFFF80;
	(pc) =	sbr.rel @p3 .LBB2_2-.Ltmp0, $4  }
0x60: {  	[spmem:s2] =	stream.indirect.scatter.add.f32 [tilespmem:s14], [sflag:$0x1], $0x1, s24, s13, $0xb8;
	[tilespmem:$0x5400] =	vst v63  }
0x61: {  	_ =	swait.ge [sflag:s16], $0x80  }
0x62: {  	[sflag:s16] =	ssyncset.done $0x0  }
0x63: {  	s23 =	sadd.s32 $0x2780, s23;
	[sflag:s16] =	ssyncadd.s32 $0xFFFFFF80  }
0x64: {  	[spmem:s2] =	stream.indirect.scatter.add.f32 [tilespmem:s14], [sflag:$0x2], $0x1, s23, s13, $0xb8;
	[tilespmem:$0x5400] =	vst v63  }
0x65: {  	s20 =	sand.u32 $0x1, s20;
	_ =	swait.ge [sflag:s15], $0x80  }
0x66: {  	p3 =	seq.s32 s20, $0x1;
	[sflag:s15] =	ssyncset.done $0x0  }
0x67: {  	p3 =	por !p3, !p3;
	[sflag:s15] =	ssyncadd.s32 $0xFFFFFF80  }
0x68: {  	p3 =	por p3, p0;
	_ =	swait.ge [sflag:s16], $0x80  }
0x69: {  	s20 =	simm.s32 @!p3 $0x80;
	[sflag:s16] =	ssyncset.done $0x0  }
0x6a: {  	s21 =	simm.s32 @!p3 $0x2700;
	s22 =	simm.s32 @!p3 $0x4E80;
	[sflag:s16] =	ssyncadd.s32 $0xFFFFFF80  }
0x6b: {  	[spmem:s2] =	stream.indirect.scatter.add.f32 @!p3 [tilespmem:s22], [sflag:$0x3], $0x1, s21, s20, $0xb8;
	[tilespmem:$0x5400] =	vst v63  }
0x6c: {  	s20 =	simm.s32 @!p3 $0x3  }
0x6d: {  	_ =	swait.ge @!p3 [sflag:s20], $0x80  }
0x6e: {  	[sflag:s20] =	ssyncset.done @!p3 $0x0  }
0x6f: {  	[sflag:s20] =	ssyncadd.s32 @!p3 $0xFFFFFF80  }
0x70: {  	s20 =	simm.s32 @!p0 $0x3;
	[bflag:$0x0] =	sbarrier.arrive $0xFFFF  }
0x71: {  	[hbm:s7], [sflag:s17] =	dma.local @!p0 [spmem:s18], $0x50  }
0x72: {  	_ =	swait.ge @!p0 [sflag:s20], $0x50  }
0x73: {  	s3 =	sadd.s32 $0x1, s3;
	[sflag:s20] =	ssyncset.done @!p0 $0x0  }
0x74: {  	p3 =	sne.s32 s3, s9;
	[sflag:s20] =	ssyncadd.s32 @!p0 $0xFFFFFFB0;
	s20 =	sshrl.u32 @!p2 s5, $0x3  }
0x75: {  	[hbm:s8], [sflag:s19] =	dma.local @!p2 [spmem:s20], $0x50  }
.Ltmp1:
0x76: {  	_ = 	snop;
	(pc) =	sbr.rel @p3 .LBB2_1-.Ltmp1, $4  }
0x77: {  	s20 =	simm.s32 @!p2 $0x3  }
0x78: {  	_ =	swait.ge @!p2 [sflag:s20], $0x50  }
0x79: {  	[sflag:s20] =	ssyncset.done @!p2 $0x0  }
0x7a: {  	[sflag:s20] =	ssyncadd.s32 @!p2 $0xFFFFFFB0  }
0x7b: {  	_ =	sfence.sel $0x180000  }
0x7c: {  	[bflag:$0x0] =	sbarrier.arrive $0xFFFF  }
0x7d: {  	p0 =	sne.s32 s1, $0x0;
	_ =	strace $0x90000047  }
0x7e: {  	s0 =	sadd.s32 @!p0 $0x100000, s0;
	[bflag:$0x2] =	sbarrier.arrive $0xFFFF  }
0x7f: {  	[sflag:s0] =	ssyncadd.tile.s32 @!p0 $0x1;
	_ =	shalt  }
.Lfunc_end2:
_tile_overlayer_lowered:
.L_overlay_start_2:
0x80: {  	(tag) =	ssettag $0x2  }
0x81: {  	s0 =	rddreg [dreg:$0x0];
	s2 =	stileid.u32  }
0x82: {  	s1 =	rddreg [dreg:$0x1];
	p0 =	sne.s32 s2, $0x0  }
0x83: {  	s3 =	rddreg [dreg:$0x2];
	[bflag:$0x3] =	sbarrier.arrive $0xFFFF;
	s2 =	simm.s32 @!p0 $0x1C03  }
0x84: {  	[timem:s3], [sflag:s2] =	dma.local @!p0 [hbm:s0], s1  }
0x85: {  	s0 =	simm.s32 @!p0 $0x3  }
0x86: {  	_ =	swait.ge @!p0 [sflag:s0], s1  }
0x87: {  	s1 =	ssub.s32 @!p0 $0x0, s1;
	[sflag:s0] =	ssyncset.done @!p0 $0x0  }
0x88: {  	[sflag:s0] =	ssyncadd.s32 @!p0 s1  }
0x89: {  	[bflag:$0x3] =	sbarrier.arrive $0xFFFF  }
0x8a: {  	_ =	shalt  }

// kernel: kernel.9.cloned.1.call-start
scs
__scs_entry_jumppad:
0x0: {  	(pc) =	sbr.rel $0x88, $3  }
0x1: {  	(tag) =	ssettag $0x0;
	lr =	simm.s32 $0x1  }
0x2: {  	[smem:$0x3F9B] =	sst lr;
	_ =	strace $0xD0000000  }
0x3: {  	_ = 	snop  }
0x4: {  	_ = 	snop  }
0x5: {  	_ = 	snop  }
0x6: {  	_ = 	snop  }
0x7: {  	_ = 	snop  }
__scs_overlays_trampoline_lowered:
0x8: {  	[smem:$0x3FAA] =	sst s0  }
0x9: {  	[smem:$0x3FAB] =	sst s1  }
0xa: {  	[smem:$0x3FAC] =	sst s2  }
0xb: {  	[smem:$0x3FAD] =	sst s3  }
0xc: {  	[smem:$0x3FAE] =	sst s4  }
0xd: {  	[smem:$0x3FAF] =	sst s5  }
0xe: {  	[smem:$0x3FB0] =	sst s6  }
0xf: {  	[smem:$0x3FB1] =	sst s7  }
0x10: {  	[smem:$0x3FB2] =	sst s8  }
0x11: {  	[smem:$0x3FB3] =	sst s9;
	s0 =	simm.s32 @!p0 $0x0  }
0x12: {  	s1 =	sld [smem:$0x3F99];
	s0 =	simm.s32 @p0 $0x1  }
0x13: {  	[smem:$0x3FB4] =	sst s0;
	s0 =	simm.s32 @!p1 $0x0  }
0x14: {  	s2 =	sld [smem:$0x3F98];
	s0 =	simm.s32 @p1 $0x1  }
0x15: {  	[smem:$0x3FB5] =	sst s0;
	s0 =	simm.s32 @!p2 $0x0  }
0x16: {  	s3 =	sld [smem:$0x3FDB];
	s0 =	simm.s32 @p2 $0x1  }
0x17: {  	s4 =	simm.s32 $0x1BF5;
	[smem:$0x3FB7] =	sst s0  }
0x18: {  	s0 =	sld [smem:$0x3F9A];
	_ =	swait.ge [sflag:s4], $0x0  }
0x19: {  	s7 =	sld [smem:$0x3F9B]  }
0x1a: {  	s8 =	sadd.s32 $0xFFFFE003, lr  }
0x1b: {  	s9 =	sadd.s32 $0xFFFFFEF7, lr;
	s5 =	simm.s32 $0xFFFFFFFF;
	p2 =	slt.u32 s8, $0xFFFFF086  }
0x1c: {  	p1 =	slt.u32 s9, $0xF7A;
	s5 =	simm.s32 @!p2 $0x0  }
0x1d: {  	s5 =	simm.s32 @p1 $0x1;
	p0 =	seq.s32 s7, s2  }
0x1e: {  	s7 =	smul.u32 @!p0 $0xF7A, s2;
	p2 =	seq.s32 @!p0 s5, $0x0  }
0x1f: {  	s9 =	smul.u32 $0xF7A, s1;
	s8 =	simm.s32 @!p0 $0x1BF5;
	p2 =	por !p2, p0  }
0x20: {  	[sflag:s8] =	ssyncset.s32 @!p0 $0xFFFFF086;
	s6 =	sadd.s32 @!p0 s3, s7;
	s7 =	simm.s32 @!p0 $0x108  }
0x21: {  	s3 =	sadd.s32 s3, s9;
	s6 =	sadd.s32 @!p0 $0x88, s6;
	s7 =	simm.s32 @p2 $0x1082  }
0x22: {  	[simem:s7], [sflag:s8] =	dma.local @!p0 [hbm:s6], $0xF7A  }
0x23: {  	s9 =	sor.u32 $0xD0000000, s2;
	s6 =	simm.s32 $0x108;
	_ =	swait.ge @!p0 [sflag:s8], $0x0  }
0x24: {  	s3 =	sadd.s32 $0x88, s3;
	s6 =	simm.s32 @!p1 $0x1082;
	[sflag:s4] =	ssyncset.s32 $0xFFFFF086  }
0x25: {  	[simem:s6], [sflag:s4] =	dma.local [hbm:s3], $0xF7A  }
0x26: {  	[smem:$0x3F9B] =	sst s1;
	(tag) =	ssettag s2;
	_ =	strace s9  }
0x27: {  	s1 =	sld [smem:$0x3FAB]  }
0x28: {  	s2 =	sld [smem:$0x3FAC]  }
0x29: {  	s4 =	sld [smem:$0x3FAE]  }
0x2a: {  	p0 =	seq.s32 s5, $0x0;
	s5 =	sld [smem:$0x3FAF]  }
0x2b: {  	s6 =	sld [smem:$0x3FB0]  }
0x2c: {  	s7 =	sld [smem:$0x3FB1]  }
0x2d: {  	s3 =	simm.s32 $0x108;
	s8 =	sld [smem:$0x3FB2]  }
0x2e: {  	s3 =	simm.s32 @!p0 $0x1082;
	s9 =	sld [smem:$0x3FB3]  }
0x2f: {  	lr =	sadd.s32 s0, s3;
	s0 =	sld [smem:$0x3FAA]  }
0x30: {  	s3 =	sld [smem:$0x3FAD]  }
0x31: {  	[smem:$0x3FB6] =	sst s10  }
0x32: {  	s10 =	sld [smem:$0x3FB4];
	_ =	sdelay $0x3  }
0x33: {  	p0 =	seq.s32 s10, $0x1;
	s10 =	sld [smem:$0x3FB6];
	_ =	sdelay $0x3  }
0x34: {  	[smem:$0x3FB6] =	sst s10  }
0x35: {  	s10 =	sld [smem:$0x3FB5];
	_ =	sdelay $0x3  }
0x36: {  	p1 =	seq.s32 s10, $0x1;
	s10 =	sld [smem:$0x3FB6];
	_ =	sdelay $0x3  }
0x37: {  	[smem:$0x3FB6] =	sst s10  }
0x38: {  	s10 =	sld [smem:$0x3FB7]  }
0x39: {  	_ = 	snop;
	(pc) =	sbr.ind lr, $3  }
0x3a: {  	_ = 	snop  }
0x3b: {  	_ = 	snop  }
0x3c: {  	p2 =	seq.s32 s10, $0x1;
	s10 =	sld [smem:$0x3FB6]  }
0x3d: {  	_ =	shalt  }
0x3e: {  	_ =	shalt  }
0x3f: {  	_ =	shalt  }
0x40: {  	_ =	shalt  }
0x41: {  	_ =	shalt  }
0x42: {  	_ =	shalt  }
0x43: {  	_ =	shalt  }
0x44: {  	_ =	shalt  }
0x45: {  	_ =	shalt  }
0x46: {  	_ =	shalt  }
0x47: {  	_ =	shalt  }
0x48: {  	_ =	shalt  }
0x49: {  	_ =	shalt  }
0x4a: {  	_ =	shalt  }
0x4b: {  	_ =	shalt  }
0x4c: {  	_ =	shalt  }
0x4d: {  	_ =	shalt  }
0x4e: {  	_ =	shalt  }
0x4f: {  	_ =	shalt  }
0x50: {  	_ =	shalt  }
0x51: {  	_ =	shalt  }
0x52: {  	_ =	shalt  }
0x53: {  	_ =	shalt  }
0x54: {  	_ =	shalt  }
0x55: {  	_ =	shalt  }
0x56: {  	_ =	shalt  }
0x57: {  	_ =	shalt  }
0x58: {  	_ =	shalt  }
0x59: {  	_ =	shalt  }
0x5a: {  	_ =	shalt  }
0x5b: {  	_ =	shalt  }
0x5c: {  	_ =	shalt  }
0x5d: {  	_ =	shalt  }
0x5e: {  	_ =	shalt  }
0x5f: {  	_ =	shalt  }
0x60: {  	_ =	shalt  }
0x61: {  	_ =	shalt  }
0x62: {  	_ =	shalt  }
0x63: {  	_ =	shalt  }
0x64: {  	_ =	shalt  }
0x65: {  	_ =	shalt  }
0x66: {  	_ =	shalt  }
0x67: {  	_ =	shalt  }
0x68: {  	_ =	shalt  }
0x69: {  	_ =	shalt  }
0x6a: {  	_ =	shalt  }
0x6b: {  	_ =	shalt  }
0x6c: {  	_ =	shalt  }
0x6d: {  	_ =	shalt  }
0x6e: {  	_ =	shalt  }
0x6f: {  	_ =	shalt  }
0x70: {  	_ =	shalt  }
0x71: {  	_ =	shalt  }
0x72: {  	_ =	shalt  }
0x73: {  	_ =	shalt  }
0x74: {  	_ =	shalt  }
0x75: {  	_ =	shalt  }
0x76: {  	_ =	shalt  }
0x77: {  	_ =	shalt  }
0x78: {  	_ =	shalt  }
0x79: {  	_ =	shalt  }
0x7a: {  	_ =	shalt  }
0x7b: {  	_ =	shalt  }
0x7c: {  	_ =	shalt  }
0x7d: {  	_ =	shalt  }
0x7e: {  	_ =	shalt  }
0x7f: {  	_ =	shalt  }
0x80: {  	_ =	shalt  }
0x81: {  	_ =	shalt  }
0x82: {  	_ =	shalt  }
0x83: {  	_ =	shalt  }
0x84: {  	_ =	shalt  }
0x85: {  	_ =	shalt  }
0x86: {  	_ =	shalt  }
0x87: {  	_ =	shalt  }
.Lfunc_end0:
.L_simem_size_0:
called_computation.1_lowered:
.L_overlay_start_0:
0x88: {  	s2 =	sld [smem:$0x3FD9]  }
0x89: {  	s3 =	sld [smem:$0x3FFE];
	_ =	sdelay $0x1  }
0x8a: {  	s1 =	srdreg.scid  }
0x8b: {  	s0 =	sand.u32 $0x1, s1  }
0x8c: {  	s17 =	sshll.u32 s0, $0xA;
	s2 =	sadd.s32 s3, s2  }
0x8d: {  	s2 =	sadd.s32 s2, s17  }
0x8e: {  	[smem:$0x3FC2] =	sst s2  }
0x8f: {  	_ = 	snop  }
0x90: {  	s2 =	sld [smem:$0x3FC8]  }
0x91: {  	s18 =	sld [smem:$0x3FD0];
	(tm) =	ssettm $0x1  }
0x92: {  	s4 =	sld [smem:$0x3FFB];
	_ =	sdelay $0x3  }
0x93: {  	_ =	strace s4  }
0x94: {  	s4 =	sld [smem:$0x3FFC];
	_ =	sdelay $0x3  }
0x95: {  	_ =	strace s4  }
0x96: {  	s4 =	sld [smem:$0x3FFD];
	_ =	sdelay $0x3  }
0x97: {  	_ =	strace s4  }
0x98: {  	_ =	strace $0x8FFFFFFF  }
0x99: {  	s19 =	sld [smem:$0x3FDB];
	_ =	sdelay $0x1  }
0x9a: {  	s5 =	simm.s32 $_scs_section_size  }
0x9b: {  	s6 =	simm.s32 $_size__tile_overlayer_lowered;
	s7 =	simm.s32 $_tile_overlayer_lowered  }
0x9c: {  	s22 =	simm.s32 $0x1BFF;
	s21 =	sshll.u32 s7, $0x1;
	s4 =	sadd.s32 s5, s19  }
0x9d: {  	s8 =	simm.s32 $0x0;
	s20 =	sshll.u32 s6, $0x1;
	s6 =	sadd.s32 s21, s4  }
0x9e: {  	[timem:s8], [sflag:s22] =	dma.local [hbm:s6], s20  }
0x9f: {  	_ =	swait.ge [sflag:s22], s20  }
0xa0: {  	s5 =	ssub.s32 $0x0, s20;
	[sflag:s22] =	ssyncset.done $0x0  }
0xa1: {  	[sflag:s22] =	ssyncadd.s32 s5;
	_ =	sdelay $0x1  }
0xa2: {  	s23 =	simm.s32 $0x1B8B  }
0xa3: {  	_ =	swait.ge [sflag:s23], $0x1  }
0xa4: {  	[sflag:s23] =	ssyncset.done $0x0  }
0xa5: {  	s25 =	simm.s32 $0x1B8E;
	s24 =	sld [smem:$0x3FFE];
	[sflag:s23] =	ssyncadd.s32 $0xFFFFFFFF  }
0xa6: {  	s26 =	simm.s32 $execute0_lowered;
	[smem:$0x3FD2] =	sst s25  }
0xa7: {  	s6 =	sshll.u32 s26, $0x1;
	_ =	strace $0x80000049;
	[dreg:$0x1] =	wrdreg $0xFFFFFFFF  }
0xa8: {  	s28 =	simm.s32 $_size_execute0_lowered;
	s4 =	sadd.s32 s4, s6;
	[dreg:$0x0] =	wrdreg $0x0  }
0xa9: {  	s6 =	sshll.u32 s28, $0x1;
	[dreg:$0x2] =	wrdreg s4  }
0xaa: {  	[dreg:$0x3] =	wrdreg s6  }
0xab: {  	[dreg:$0x4] =	wrdreg $0xC0  }
0xac: {  	_ =	task [dreg:s8], $0x5FFFF  }
0xad: {  	[dreg:$0x1] =	wrdreg $0xFFFFFFFF  }
0xae: {  	[dreg:$0x0] =	wrdreg $0x60  }
0xaf: {  	[dreg:$0x2] =	wrdreg s18  }
0xb0: {  	[dreg:$0x3] =	wrdreg s2  }
0xb1: {  	[dreg:$0x4] =	wrdreg s24  }
0xb2: {  	[dreg:$0x5] =	wrdreg $0x11D000  }
0xb3: {  	[dreg:$0x6] =	wrdreg $0x9  }
0xb4: {  	_ =	task.clear_ibuf [dreg:s8], $0x7FFFF;
	_ =	strace $0x90000049  }
0xb5: {  	s29 =	simm.s32 $0x9;
	_ =	strace $0x8000004B  }
0xb6: {  	_ =	swait.ge [sflag:s29], $0x1  }
0xb7: {  	[sflag:s29] =	ssyncadd.s32 $0xFFFFFFFF  }
0xb8: {  	_ =	strace $0x9000004B  }
0xb9: {  	_ =	sfence  }
0xba: {  	s30 =	sld [smem:$0x0];
	_ =	sdelay $0x2  }
0xbb: {  	s31 =	sshll.u32 s1, $0xD;
	s1 =	sshrl.u32 s1, $0x2  }
0xbc: {  	s3 =	sand.u32 $0x4000, s31;
	s1 =	sadd.s32 s1, s30  }
0xbd: {  	s0 =	sor.u32 s3, s0;
	s1 =	sshll.u32 s1, $0x11  }
0xbe: {  	s0 =	sor.u32 s1, s0  }
0xbf: {  	s0 =	sadd.s32 $0x8F2B, s0  }
0xc0: {  	[sflag:s0] =	ssyncadd.remote.s32 $0x1  }
0xc1: {  	_ =	sfence.sel $0xFFFF  }
0xc2: {  	[dreg:$0x0] =	wrdreg $0xFFFFFFFF;
	(pc) =	sbr.abs _section_cstart, $3  }
0xc3: {  	[dreg:$0x1] =	wrdreg $0xFFFFFFFF  }
0xc4: {  	_ =	task.clear_ibuf [dreg:s8], $0x2FFFF;
	_ =	strace $0x9FFFFFFF  }
0xc5: {  	(tm) =	ssettm $0x7FFFFFFF  }
tec
execute0_lowered:
.L_overlay_start_1:
0x0: {  	(tag) =	ssettag $0x1  }
0x1: {  	s1 =	rddreg [dreg:$0x0]  }
0x2: {  	s0 =	rddreg [dreg:$0x1]  }
0x3: {  	s5 =	rddreg [dreg:$0x2]  }
0x4: {  	s3 =	rddreg [dreg:$0x3];
	s6 =	srdreg.scid  }
0x5: {  	s2 =	stileid.u32;
	s4 =	simm.s32 $0x0;
	s15 =	simm.s32 $0x9D00  }
0x6: {  	s16 =	simm.s32 $0x5;
	s17 =	simm.s32 $0x80;
	s18 =	simm.s32 $0xBD00  }
0x7: {  	s20 =	simm.s32 $0xDD00;
	s22 =	simm.s32 $0xFD00;
	s23 =	simm.s32 $0x1  }
0x8: {  	s24 =	simm.s32 $0x2;
	s31 =	simm.s32 $0x9C00;
	s25 =	smul.u32 $0x14000, s2  }
0x9: {  	s19 =	sand.u32 $0x1, s6;
	[smem:$0x7FF] =	sst s4;
	s8 =	smul.u32 $0x9C, s2  }
0xa: {  	s29 =	smin.u32 s2, $0x4;
	s30 =	smul.u32 $0x28000, s2;
	p0 =	slt.u32 s2, $0x4  }
0xb: {  	s7 =	sshll.u32 s19, $0x6;
	_ =	strace $0x8000004A;
	s26 =	ssub.s32 $0x2, s19  }
0xc: {  	v0 =	vmov s19;
	s19 =	simm.s32 $0x8;
	s6 =	sor.u32 s7, s25;
	s28 =	sshrl.u32 s26, $0x1  }
0xd: {  	s7 =	sshrl.u32 s30, $0x2;
	s25 =	simm.s32 $0x3;
	s6 =	sshrl.u32 s6, $0x3  }
0xe: {  	s10 =	ssub.s32 s26, s28;
	s7 =	sadd.s32 s7, s3;
	s26 =	simm.s32 $0x4  }
0xf: {  	s9 =	sadd.s32 s6, s5;
	s6 =	sadd.s32 s29, s8;
	s5 =	simm.s32 $0x9D  }
0x10: {  	s10 =	smax.u32 s10, $0x1;
	s11 =	sadd.s32 $0x2000, s7;
	s12 =	sadd.s32 $0x4000, s7  }
0x11: {  	s13 =	sadd.s32 $0x6000, s7;
	s14 =	sadd.s32 $0x8000, s7;
	s6 =	sshll.u32 s6, $0x5  }
0x12: {  	s5 =	simm.s32 @!p0 $0x9C;
	s9 =	sadd.s32 $0x1C00, s9;
	s6 =	sadd.s32 s0, s6  }
0x13: {  	v1 =	vimm.f32 $0.0e+00;
	p0 =	sgt.u32 s2, $0x3;
	s0 =	simm.s32 $0x10;
	s8 =	sadd.s32 $0x10, s6  }
.LBB2_1:
0x14: {  	s28 =	simm.s32 $0x100;
	s21 =	simm.s32 $0x0  }
.LBB2_2:
0x15: {  	p1 =	sne.s32 s28, $0x7F00;
	[tilespmem:s21+$0x9D30] =	vst v1;
	s29 =	smov.u32 s28;
	s28 =	sadd.s32 $0x100, s28  }
.Ltmp0:
0x16: {  	[tilespmem:s21+$0x9D20] =	vst v1;
	(pc) =	sbr.rel @p1 .LBB2_2-.Ltmp0, $3  }
0x17: {  	[tilespmem:s21+$0x9D00] =	vst v1  }
0x18: {  	[tilespmem:s21+$0x9D10] =	vst v1;
	_ =	sdelay $0x1  }
0x19: {  	s21 =	sshra.s32 s29, $0x2  }
0x1a: {  	[tilespmem:s21+$0x9D30] =	vst v1  }
0x1b: {  	[tilespmem:s21+$0x9D20] =	vst v1  }
0x1c: {  	[tilespmem:s21+$0x9D00] =	vst v1  }
0x1d: {  	[tilespmem:s21+$0x9D10] =	vst v1  }
0x1e: {  	[spmem:s7] =	stream.linear.scatter [tilespmem:s15], [sflag:$0x5], $0x2000, $0x38;
	[tilespmem:$0x1BD00] =	vst v63  }
0x1f: {  	_ =	swait.ge [sflag:s16], $0x2000  }
0x20: {  	[sflag:s16] =	ssyncset.done $0x0  }
0x21: {  	[sflag:s16] =	ssyncadd.s32 $0xFFFFE000  }
0x22: {  	[spmem:s11] =	stream.linear.scatter [tilespmem:s15], [sflag:$0x5], $0x2000, $0x38;
	[tilespmem:$0x1BD00] =	vst v63  }
0x23: {  	_ =	swait.ge [sflag:s16], $0x2000  }
0x24: {  	[sflag:s16] =	ssyncset.done $0x0  }
0x25: {  	[sflag:s16] =	ssyncadd.s32 $0xFFFFE000  }
0x26: {  	[spmem:s12] =	stream.linear.scatter [tilespmem:s15], [sflag:$0x5], $0x2000, $0x38;
	[tilespmem:$0x1BD00] =	vst v63  }
0x27: {  	_ =	swait.ge [sflag:s16], $0x2000  }
0x28: {  	[sflag:s16] =	ssyncset.done $0x0  }
0x29: {  	[sflag:s16] =	ssyncadd.s32 $0xFFFFE000  }
0x2a: {  	[spmem:s13] =	stream.linear.scatter [tilespmem:s15], [sflag:$0x5], $0x2000, $0x38;
	[tilespmem:$0x1BD00] =	vst v63  }
0x2b: {  	_ =	swait.ge [sflag:s16], $0x2000  }
0x2c: {  	[sflag:s16] =	ssyncset.done $0x0  }
0x2d: {  	[sflag:s16] =	ssyncadd.s32 $0xFFFFE000  }
0x2e: {  	[spmem:s14] =	stream.linear.scatter [tilespmem:s15], [sflag:$0x5], $0x2000, $0x38;
	[tilespmem:$0x1BD00] =	vst v63  }
0x2f: {  	_ =	swait.ge [sflag:s16], $0x2000  }
0x30: {  	[sflag:s16] =	ssyncset.done $0x0  }
0x31: {  	s21 =	simm.s32 @p0 $0x80;
	[sflag:s16] =	ssyncadd.s32 $0xFFFFE000  }
0x32: {  	s28 =	simm.s32 @p0 $0x100;
	s29 =	simm.s32 @p0 $0x0;
	[bflag:$0x0] =	sbarrier.arrive $0xFFFF  }
0x33: {  	[tilespmem:s29], [sflag:$0x5] =	stream.strided.gather @p0 [hbm4b:s6+s21], $0x4E00, s28, s21, $0x38;
	[tilespmem:$0x1BD00] =	vst v63  }
0x34: {  	s29 =	simm.s32 @p0 $0x5  }
0x35: {  	_ =	swait.ge @p0 [sflag:s29], $0x4E00  }
0x36: {  	[sflag:s29] =	ssyncset.done @p0 $0x0  }
0x37: {  	s30 =	simm.s32 @p0 $0x4E80;
	[sflag:s29] =	ssyncadd.s32 @p0 $0xFFFFB200  }
0x38: {  	[tilespmem:s30], [sflag:$0x5] =	stream.strided.gather @p0 [hbm4b:s8+s21], $0x4E00, s28, s21, $0x38;
	[tilespmem:$0x1BD00] =	vst v63  }
0x39: {  	_ =	swait.ge @p0 [sflag:s29], $0x4E00  }
0x3a: {  	s21 =	simm.s32 @!p0 $0x80;
	[sflag:s29] =	ssyncset.done @p0 $0x0  }
0x3b: {  	s28 =	simm.s32 @!p0 $0x100;
	[sflag:s29] =	ssyncadd.s32 @p0 $0xFFFFB200;
	s29 =	simm.s32 @!p0 $0x0  }
0x3c: {  	[tilespmem:s29], [sflag:$0x5] =	stream.strided.gather @!p0 [hbm4b:s6+s21], $0x4E80, s28, s21, $0x38;
	[tilespmem:$0x1BD00] =	vst v63  }
0x3d: {  	s29 =	simm.s32 @!p0 $0x5  }
0x3e: {  	_ =	swait.ge @!p0 [sflag:s29], $0x4E80  }
0x3f: {  	[sflag:s29] =	ssyncset.done @!p0 $0x0  }
0x40: {  	s30 =	simm.s32 @!p0 $0x4E80;
	[sflag:s29] =	ssyncadd.s32 @!p0 $0xFFFFB180  }
0x41: {  	[tilespmem:s30], [sflag:$0x5] =	stream.strided.gather @!p0 [hbm4b:s8+s21], $0x4E80, s28, s21, $0x38;
	[tilespmem:$0x1BD00] =	vst v63  }
0x42: {  	_ =	swait.ge @!p0 [sflag:s29], $0x4E80  }
0x43: {  	[sflag:s29] =	ssyncset.done @!p0 $0x0  }
0x44: {  	s21 =	simm.s32 $0x40;
	[sflag:s29] =	ssyncadd.s32 @!p0 $0xFFFFB180  }
0x45: {  	v3 =	vld [tilespmem:s21+$0xFFFFFFC0]  }
0x46: {  	p1 =	sne.s32 s5, $0x1;
	v5 =	vld [tilespmem:s21+$0xFFFFFFD0]  }
.Ltmp1:
0x47: {  	v6 =	vld [tilespmem:s21+$0xFFFFFFE0];
	(pc) =	sbr.rel @!p1 .LBB2_5-.Ltmp1, $4  }
0x48: {  	v4 =	vld [tilespmem:s21+$0x0]  }
0x49: {  	v2 =	vld [tilespmem:s21+$0x10]  }
0x4a: {  	v7 =	vshll.u32 v3, $0x1;
	v3 =	vld [tilespmem:s21+$0x20]  }
0x4b: {  	s28 =	sadd.s32 $0xFFFFFFFF, s5;
	s29 =	simm.s32 $0x40;
	v8 =	vshll.u32 v5, $0x1;
	v5 =	vld [tilespmem:s21+$0x30];
	v7 =	vor.u32 v0, v7  }
.LBB2_4:
0x4c: {  	p1 =	sne.s32 s28, $0x1;
	[tilespmem:s21+$0xFFFFFFC0] =	vst v7;
	v7 =	vor.u32 v0, v8;
	v6 =	vshll.u32 v6, $0x1;
	v8 =	vld [tilespmem:s21+$0xFFFFFFF0];
	s29 =	sadd.s32 $0x80, s29  }
0x4d: {  	v9 =	vld [tilespmem:s29+$0xFFFFFFC0];
	[tilespmem:s21+$0xFFFFFFD0] =	vst v7;
	v6 =	vor.u32 v0, v6;
	v4 =	vshll.u32 v4, $0x1  }
0x4e: {  	v10 =	vld [tilespmem:s29+$0xFFFFFFD0];
	[tilespmem:s21+$0xFFFFFFE0] =	vst v6;
	v4 =	vor.u32 v0, v4;
	v2 =	vshll.u32 v2, $0x1  }
.Ltmp2:
0x4f: {  	v6 =	vld [tilespmem:s29+$0xFFFFFFE0];
	[tilespmem:s21+$0x0] =	vst v4;
	v2 =	vor.u32 v0, v2;
	v3 =	vshll.u32 v3, $0x1;
	(pc) =	sbr.rel @p1 .LBB2_4-.Ltmp2, $4  }
0x50: {  	v4 =	vld [tilespmem:s29+$0x0];
	[tilespmem:s21+$0x10] =	vst v2;
	v3 =	vor.u32 v0, v3;
	v5 =	vshll.u32 v5, $0x1  }
0x51: {  	v2 =	vld [tilespmem:s29+$0x10];
	v7 =	vshll.u32 v8, $0x1;
	[tilespmem:s21+$0x20] =	vst v3;
	v5 =	vor.u32 v0, v5  }
0x52: {  	v8 =	vshll.u32 v9, $0x1;
	v3 =	vld [tilespmem:s29+$0x20];
	v9 =	vor.u32 v0, v7;
	[tilespmem:s21+$0x30] =	vst v5  }
0x53: {  	s28 =	sadd.s32 $0xFFFFFFFF, s28;
	v7 =	vor.u32 v0, v8;
	v8 =	vshll.u32 v10, $0x1;
	v5 =	vld [tilespmem:s29+$0x30];
	[tilespmem:s21+$0xFFFFFFF0] =	vst v9;
	s21 =	smov.u32 s29  }
.LBB2_5:
0x54: {  	[tilespmem:s21+$0xFFFFFFC0] =	vst v7;
	v61 =	vor.u32 v0, v8;
	v6 =	vshll.u32 v6, $0x1;
	v62 =	vld [tilespmem:s21+$0xFFFFFFF0]  }
0x55: {  	[tilespmem:s21+$0xFFFFFFD0] =	vst v61;
	v6 =	vor.u32 v0, v6;
	v4 =	vshll.u32 v4, $0x1  }
0x56: {  	[tilespmem:s21+$0xFFFFFFE0] =	vst v6;
	v4 =	vor.u32 v0, v4;
	v2 =	vshll.u32 v2, $0x1  }
0x57: {  	[tilespmem:s21+$0x0] =	vst v4;
	v2 =	vor.u32 v0, v2;
	v3 =	vshll.u32 v3, $0x1  }
0x58: {  	[tilespmem:s21+$0x10] =	vst v2;
	v2 =	vor.u32 v0, v3;
	v3 =	vshll.u32 v5, $0x1  }
0x59: {  	v63 =	vshll.u32 v62, $0x1;
	[tilespmem:s21+$0x20] =	vst v2;
	v2 =	vor.u32 v0, v3  }
0x5a: {  	v3 =	vor.u32 v0, v63;
	[tilespmem:s21+$0x30] =	vst v2  }
0x5b: {  	s29 =	simm.s32 $0x0;
	[tilespmem:s21+$0xFFFFFFF0] =	vst v3  }
0x5c: {  	[tilespmem:s15], [sflag:$0x1] =	stream.indirect.gather [hbm4b:s1+s17], $0x40, s29, s17, $0xb8;
	[tilespmem:$0x1BD00] =	vst v63  }
0x5d: {  	_ = 	snop  }
0x5e: {  	[tilespmem:s18], [sflag:$0x2] =	stream.indirect.gather [hbm4b:s1+s17], $0x40, s17, s17, $0xb8;
	[tilespmem:$0x1BD00] =	vst v63  }
0x5f: {  	s30 =	simm.s32 $0x100  }
0x60: {  	[tilespmem:s20], [sflag:$0x3] =	stream.indirect.gather [hbm4b:s1+s17], $0x40, s30, s17, $0xb8;
	[tilespmem:$0x1BD00] =	vst v63  }
0x61: {  	s29 =	simm.s32 $0x180  }
0x62: {  	[tilespmem:s22], [sflag:$0x4] =	stream.indirect.gather [hbm4b:s1+s17], $0x40, s29, s17, $0xb8;
	[tilespmem:$0x1BD00] =	vst v63  }
0x63: {  	_ =	swait.ge [sflag:s23], $0x2000  }
0x64: {  	[sflag:s23] =	ssyncset.done $0x0  }
0x65: {  	s30 =	simm.s32 $0x4E80;
	[sflag:s23] =	ssyncadd.s32 $0xFFFFE000  }
0x66: {  	[spmem:s3] =	stream.indirect.scatter.add.f32 [tilespmem:s15], [sflag:$0x5], $0x40, s30, s17, $0xb8;
	[tilespmem:$0x1BD00] =	vst v63  }
0x67: {  	_ =	swait.ge [sflag:s16], $0x2000  }
0x68: {  	[sflag:s16] =	ssyncset.done $0x0  }
0x69: {  	s29 =	simm.s32 $0x200;
	[sflag:s16] =	ssyncadd.s32 $0xFFFFE000  }
0x6a: {  	[tilespmem:s15], [sflag:$0x1] =	stream.indirect.gather [hbm4b:s1+s17], $0x40, s29, s17, $0xb8;
	[tilespmem:$0x1BD00] =	vst v63  }
0x6b: {  	_ =	swait.ge [sflag:s24], $0x2000  }
0x6c: {  	[sflag:s24] =	ssyncset.done $0x0  }
0x6d: {  	s30 =	simm.s32 $0x4F00;
	[sflag:s24] =	ssyncadd.s32 $0xFFFFE000  }
0x6e: {  	[spmem:s3] =	stream.indirect.scatter.add.f32 [tilespmem:s18], [sflag:$0x5], $0x40, s30, s17, $0xb8;
	[tilespmem:$0x1BD00] =	vst v63  }
0x6f: {  	_ =	swait.ge [sflag:s16], $0x2000  }
0x70: {  	[sflag:s16] =	ssyncset.done $0x0  }
0x71: {  	s29 =	simm.s32 $0x280;
	[sflag:s16] =	ssyncadd.s32 $0xFFFFE000  }
0x72: {  	[tilespmem:s18], [sflag:$0x2] =	stream.indirect.gather [hbm4b:s1+s17], $0x40, s29, s17, $0xb8;
	[tilespmem:$0x1BD00] =	vst v63  }
0x73: {  	_ =	swait.ge [sflag:s25], $0x2000  }
0x74: {  	[sflag:s25] =	ssyncset.done $0x0  }
0x75: {  	s30 =	simm.s32 $0x4F80;
	[sflag:s25] =	ssyncadd.s32 $0xFFFFE000  }
0x76: {  	[spmem:s3] =	stream.indirect.scatter.add.f32 [tilespmem:s20], [sflag:$0x5], $0x40, s30, s17, $0xb8;
	[tilespmem:$0x1BD00] =	vst v63  }
0x77: {  	_ =	swait.ge [sflag:s16], $0x2000  }
0x78: {  	[sflag:s16] =	ssyncset.done $0x0  }
0x79: {  	s29 =	simm.s32 $0x300;
	[sflag:s16] =	ssyncadd.s32 $0xFFFFE000  }
0x7a: {  	[tilespmem:s20], [sflag:$0x3] =	stream.indirect.gather [hbm4b:s1+s17], $0x40, s29, s17, $0xb8;
	[tilespmem:$0x1BD00] =	vst v63  }
0x7b: {  	_ =	swait.ge [sflag:s26], $0x2000  }
0x7c: {  	[sflag:s26] =	ssyncset.done $0x0  }
0x7d: {  	s30 =	simm.s32 $0x5000;
	[sflag:s26] =	ssyncadd.s32 $0xFFFFE000  }
0x7e: {  	[spmem:s3] =	stream.indirect.scatter.add.f32 [tilespmem:s22], [sflag:$0x5], $0x40, s30, s17, $0xb8;
	[tilespmem:$0x1BD00] =	vst v63  }
0x7f: {  	_ =	swait.ge [sflag:s16], $0x2000  }
0x80: {  	[sflag:s16] =	ssyncset.done $0x0  }
0x81: {  	s28 =	simm.s32 $0x380;
	s21 =	simm.s32 $0x800;
	[sflag:s16] =	ssyncadd.s32 $0xFFFFE000  }
.LBB2_6:
0x82: {  	[tilespmem:s22], [sflag:$0x4] =	stream.indirect.gather [hbm4b:s1+s17], $0x40, s28, s17, $0xb8;
	[tilespmem:$0x1BD00] =	vst v63  }
0x83: {  	s28 =	smov.u32 s21  }
0x84: {  	p1 =	sne.s32 s21, $0x12800;
	s21 =	sadd.s32 $0x800, s21;
	_ =	swait.ge [sflag:s23], $0x2000  }
0x85: {  	s28 =	sshra.s32 s28, $0x2;
	[sflag:s23] =	ssyncset.done $0x0  }
0x86: {  	s29 =	sadd.s32 $0x4E80, s28;
	[sflag:s23] =	ssyncadd.s32 $0xFFFFE000  }
0x87: {  	[spmem:s3] =	stream.indirect.scatter.add.f32 [tilespmem:s15], [sflag:$0x5], $0x40, s29, s17, $0xb8;
	[tilespmem:$0x1BD00] =	vst v63  }
0x88: {  	_ =	swait.ge [sflag:s16], $0x2000  }
0x89: {  	[sflag:s16] =	ssyncset.done $0x0  }
0x8a: {  	s29 =	sadd.s32 $0x200, s28;
	[sflag:s16] =	ssyncadd.s32 $0xFFFFE000  }
0x8b: {  	[tilespmem:s15], [sflag:$0x1] =	stream.indirect.gather [hbm4b:s1+s17], $0x40, s29, s17, $0xb8;
	[tilespmem:$0x1BD00] =	vst v63  }
0x8c: {  	_ =	swait.ge [sflag:s24], $0x2000  }
0x8d: {  	[sflag:s24] =	ssyncset.done $0x0  }
0x8e: {  	s29 =	sadd.s32 $0x4F00, s28;
	[sflag:s24] =	ssyncadd.s32 $0xFFFFE000  }
0x8f: {  	[spmem:s3] =	stream.indirect.scatter.add.f32 [tilespmem:s18], [sflag:$0x5], $0x40, s29, s17, $0xb8;
	[tilespmem:$0x1BD00] =	vst v63  }
0x90: {  	_ =	swait.ge [sflag:s16], $0x2000  }
0x91: {  	[sflag:s16] =	ssyncset.done $0x0  }
0x92: {  	s29 =	sadd.s32 $0x280, s28;
	[sflag:s16] =	ssyncadd.s32 $0xFFFFE000  }
0x93: {  	[tilespmem:s18], [sflag:$0x2] =	stream.indirect.gather [hbm4b:s1+s17], $0x40, s29, s17, $0xb8;
	[tilespmem:$0x1BD00] =	vst v63  }
0x94: {  	_ =	swait.ge [sflag:s25], $0x2000  }
0x95: {  	[sflag:s25] =	ssyncset.done $0x0  }
0x96: {  	s29 =	sadd.s32 $0x4F80, s28;
	[sflag:s25] =	ssyncadd.s32 $0xFFFFE000  }
0x97: {  	[spmem:s3] =	stream.indirect.scatter.add.f32 [tilespmem:s20], [sflag:$0x5], $0x40, s29, s17, $0xb8;
	[tilespmem:$0x1BD00] =	vst v63  }
0x98: {  	_ =	swait.ge [sflag:s16], $0x2000  }
0x99: {  	[sflag:s16] =	ssyncset.done $0x0  }
0x9a: {  	s29 =	sadd.s32 $0x300, s28;
	[sflag:s16] =	ssyncadd.s32 $0xFFFFE000  }
0x9b: {  	[tilespmem:s20], [sflag:$0x3] =	stream.indirect.gather [hbm4b:s1+s17], $0x40, s29, s17, $0xb8;
	[tilespmem:$0x1BD00] =	vst v63  }
0x9c: {  	_ =	swait.ge [sflag:s26], $0x2000  }
0x9d: {  	[sflag:s26] =	ssyncset.done $0x0  }
.Ltmp3:
0x9e: {  	s29 =	sadd.s32 $0x5000, s28;
	[sflag:s26] =	ssyncadd.s32 $0xFFFFE000;
	(pc) =	sbr.rel @p1 .LBB2_6-.Ltmp3, $4  }
0x9f: {  	[spmem:s3] =	stream.indirect.scatter.add.f32 [tilespmem:s22], [sflag:$0x5], $0x40, s29, s17, $0xb8;
	[tilespmem:$0x1BD00] =	vst v63  }
0xa0: {  	_ =	swait.ge [sflag:s16], $0x2000  }
0xa1: {  	[sflag:s16] =	ssyncset.done $0x0  }
0xa2: {  	s28 =	sadd.s32 $0x380, s28;
	[sflag:s16] =	ssyncadd.s32 $0xFFFFE000  }
0xa3: {  	[tilespmem:s22], [sflag:$0x4] =	stream.indirect.gather [hbm4b:s1+s17], $0x40, s28, s17, $0xb8;
	[tilespmem:$0x1BD00] =	vst v63  }
0xa4: {  	_ =	swait.ge [sflag:s23], $0x2000  }
0xa5: {  	[sflag:s23] =	ssyncset.done $0x0  }
0xa6: {  	s21 =	simm.s32 $0x9A80;
	[sflag:s23] =	ssyncadd.s32 $0xFFFFE000  }
0xa7: {  	[spmem:s3] =	stream.indirect.scatter.add.f32 [tilespmem:s15], [sflag:$0x5], $0x40, s21, s17, $0xb8;
	[tilespmem:$0x1BD00] =	vst v63  }
0xa8: {  	_ =	swait.ge [sflag:s16], $0x2000  }
0xa9: {  	s28 =	simm.s32 @!p0 $0x4E00;
	[sflag:s16] =	ssyncset.done $0x0  }
0xaa: {  	s29 =	simm.s32 @!p0 $0x9D00;
	s21 =	simm.s32 @!p0 $0x80;
	[sflag:s16] =	ssyncadd.s32 $0xFFFFE000  }
0xab: {  	[tilespmem:s29], [sflag:$0x1] =	stream.indirect.gather @!p0 [hbm4b:s1+s21], $0x40, s28, s21, $0xb8;
	[tilespmem:$0x1BD00] =	vst v63  }
0xac: {  	_ =	swait.ge [sflag:s24], $0x2000  }
0xad: {  	[sflag:s24] =	ssyncset.done $0x0  }
0xae: {  	s30 =	simm.s32 $0x9B00;
	[sflag:s24] =	ssyncadd.s32 $0xFFFFE000  }
0xaf: {  	[spmem:s3] =	stream.indirect.scatter.add.f32 [tilespmem:s18], [sflag:$0x5], $0x40, s30, s17, $0xb8;
	[tilespmem:$0x1BD00] =	vst v63  }
0xb0: {  	_ =	swait.ge [sflag:s16], $0x2000  }
0xb1: {  	[sflag:s16] =	ssyncset.done $0x0  }
0xb2: {  	[sflag:s16] =	ssyncadd.s32 $0xFFFFE000  }
0xb3: {  	_ =	swait.ge [sflag:s25], $0x2000  }
0xb4: {  	[sflag:s25] =	ssyncset.done $0x0  }
0xb5: {  	s30 =	simm.s32 $0x9B80;
	[sflag:s25] =	ssyncadd.s32 $0xFFFFE000  }
0xb6: {  	[spmem:s3] =	stream.indirect.scatter.add.f32 [tilespmem:s20], [sflag:$0x5], $0x40, s30, s17, $0xb8;
	[tilespmem:$0x1BD00] =	vst v63  }
0xb7: {  	_ =	swait.ge [sflag:s16], $0x2000  }
0xb8: {  	[sflag:s16] =	ssyncset.done $0x0  }
0xb9: {  	[sflag:s16] =	ssyncadd.s32 $0xFFFFE000  }
0xba: {  	_ =	swait.ge [sflag:s26], $0x2000  }
0xbb: {  	[sflag:s26] =	ssyncset.done $0x0  }
0xbc: {  	[sflag:s26] =	ssyncadd.s32 $0xFFFFE000  }
0xbd: {  	[spmem:s3] =	stream.indirect.scatter.add.f32 [tilespmem:s22], [sflag:$0x5], $0x40, s31, s17, $0xb8;
	[tilespmem:$0x1BD00] =	vst v63  }
0xbe: {  	_ =	swait.ge [sflag:s16], $0x2000  }
0xbf: {  	[sflag:s16] =	ssyncset.done $0x0  }
0xc0: {  	s28 =	simm.s32 @!p0 $0x1;
	[sflag:s16] =	ssyncadd.s32 $0xFFFFE000  }
0xc1: {  	_ =	swait.ge @!p0 [sflag:s28], $0x2000  }
0xc2: {  	[sflag:s28] =	ssyncset.done @!p0 $0x0  }
0xc3: {  	[sflag:s28] =	ssyncadd.s32 @!p0 $0xFFFFE000;
	s28 =	simm.s32 @!p0 $0x9C80  }
0xc4: {  	[spmem:s3] =	stream.indirect.scatter.add.f32 @!p0 [tilespmem:s29], [sflag:$0x5], $0x40, s28, s21, $0xb8;
	[tilespmem:$0x1BD00] =	vst v63  }
0xc5: {  	s21 =	simm.s32 @!p0 $0x5  }
0xc6: {  	s4 =	sadd.s32 $0x1, s4;
	_ =	swait.ge @!p0 [sflag:s21], $0x2000  }
0xc7: {  	p1 =	sne.s32 s4, s10;
	[sflag:s21] =	ssyncset.done @!p0 $0x0  }
0xc8: {  	s30 =	sshrl.u32 s7, $0x3;
	s29 =	sshll.u32 s2, $0x6;
	[sflag:s21] =	ssyncadd.s32 @!p0 $0xFFFFE000  }
.Ltmp4:
0xc9: {  	s21 =	sor.u32 $0x1C05, s29;
	[bflag:$0x0] =	sbarrier.arrive $0xFFFF;
	(pc) =	sbr.rel @p1 .LBB2_1-.Ltmp4, $4  }
0xca: {  	[hbm:s9@s0], [sflag:s21] =	dma.strided [spmem:s30@s19], $0x1400, s23, $0x8   }
0xcb: {  	_ =	swait.ge [sflag:s16], $0x1400  }
0xcc: {  	[sflag:s16] =	ssyncset.done $0x0  }
0xcd: {  	[sflag:s16] =	ssyncadd.s32 $0xFFFFEC00  }
0xce: {  	_ =	sfence.sel $0x180000  }
0xcf: {  	[bflag:$0x0] =	sbarrier.arrive $0xFFFF  }
0xd0: {  	_ =	strace $0x9000004A  }
0xd1: {  	[bflag:$0x2] =	sbarrier.arrive $0xFFFF  }
0xd2: {  	p0 =	sne.s32 s2, $0x0;
	s0 =	rddreg [dreg:$0x4]  }
0xd3: {  	s0 =	sadd.s32 @!p0 $0x100000, s0  }
0xd4: {  	[sflag:s0] =	ssyncadd.tile.s32 @!p0 $0x1;
	_ =	shalt  }
.Lfunc_end2:
_tile_overlayer_lowered:
.L_overlay_start_2:
0xd5: {  	(tag) =	ssettag $0x2  }
0xd6: {  	s0 =	rddreg [dreg:$0x0];
	s2 =	stileid.u32  }
0xd7: {  	s1 =	rddreg [dreg:$0x1];
	p0 =	sne.s32 s2, $0x0  }
0xd8: {  	s3 =	rddreg [dreg:$0x2];
	[bflag:$0x3] =	sbarrier.arrive $0xFFFF;
	s2 =	simm.s32 @!p0 $0x1C05  }
0xd9: {  	[timem:s3], [sflag:s2] =	dma.local @!p0 [hbm:s0], s1  }
0xda: {  	s0 =	simm.s32 @!p0 $0x5  }
0xdb: {  	_ =	swait.ge @!p0 [sflag:s0], s1  }
0xdc: {  	s1 =	ssub.s32 @!p0 $0x0, s1;
	[sflag:s0] =	ssyncset.done @!p0 $0x0  }
0xdd: {  	[sflag:s0] =	ssyncadd.s32 @!p0 s1  }
0xde: {  	[bflag:$0x3] =	sbarrier.arrive $0xFFFF  }
0xdf: {  	_ =	shalt  }

</sc_bundles>
